<compile_context>
chip_gen: v7x
topology: tpu7x:2x2x1
jax: 0.10.2.dev20260603
libtpu: 0.0.44.dev20260713+nightly
codegen_flags: <defaults>
</compile_context>

<pallas_src>
import dataclasses

import jax
import jax.numpy as jnp
from jax import lax
from jax.experimental import pallas as pl
from jax.experimental.pallas import tpu as pltpu
from jax.experimental.pallas import tpu_sc as plsc

N_ROWS = 65536
N_COLS = 65536
NNZ_PER_ROW = 64

NUM_WORKERS = 32
ROWS_PER_WORKER = N_ROWS // NUM_WORKERS
CHUNK_ROWS = 128
NUM_CHUNKS = ROWS_PER_WORKER // CHUNK_ROWS
CHUNK_NNZ = CHUNK_ROWS * NNZ_PER_ROW
LANES = 16


def _spmv_kernel(table_hbm, cols_hbm, values_hbm, bias_hbm, out_hbm,
                 table_sh, table_v, cols_v, values_v, out_v, sem_t,
                 sem_b0, sem_b1):
    sems = (sem_b0, sem_b1)
    sid = lax.axis_index("s")
    wid = sid * 2 + lax.axis_index("c")
    base_row = wid * ROWS_PER_WORKER

    def chunk_slices(c):
        nz0 = (base_row + c * CHUNK_ROWS) * NNZ_PER_ROW
        return (cols_hbm.at[pl.ds(nz0, CHUNK_NNZ)],
                values_hbm.at[pl.ds(nz0, CHUNK_NNZ)])

    def start_in(c, b):
        cols_sl, values_sl = chunk_slices(c)
        dst = pl.ds(b * CHUNK_NNZ, CHUNK_NNZ)
        pltpu.async_copy(cols_sl, cols_v.at[dst], sems[b])
        pltpu.async_copy(values_sl, values_v.at[dst], sems[b])

    def wait_in(c, b):
        cols_sl, values_sl = chunk_slices(c)
        dst = pl.ds(b * CHUNK_NNZ, CHUNK_NNZ)
        pltpu.make_async_copy(cols_sl, cols_v.at[dst], sems[b]).wait()
        pltpu.make_async_copy(values_sl, values_v.at[dst], sems[b]).wait()

    TSLICE = N_COLS // 16
    toff = sid * TSLICE
    bias_copy = pltpu.async_copy(
        bias_hbm.at[pl.ds(base_row, ROWS_PER_WORKER)], out_v, sem_t)
    pltpu.async_copy(table_hbm.at[pl.ds(toff, TSLICE)],
                     table_sh.at[pl.ds(toff, TSLICE)], sem_t).wait()
    start_in(0, 0)
    plsc.subcore_barrier()
    table_copy = pltpu.async_copy(table_sh, table_v, sem_t)
    bias_copy.wait()
    table_copy.wait()

    last_mask = lax.iota(jnp.int32, LANES) == (LANES - 1)

    @pl.loop(0, NUM_CHUNKS, step=2)
    def _chunk(ci):
      for b in range(2):
        c = ci + b
        nxt = c + 1

        @pl.when(nxt < NUM_CHUNKS)
        def _():
            start_in(nxt, b ^ 1)

        wait_in(c, b)
        row0 = c * CHUNK_ROWS
        boff = b * CHUNK_NNZ

        @plsc.parallel_loop(0, CHUNK_ROWS, unroll=4)
        def _row(r):
            base = boff + r * NNZ_PER_ROW
            cbuf = cols_v
            vbuf = values_v
            g0 = plsc.load_gather(table_v, [cbuf[pl.ds(base, LANES)]])
            g1 = plsc.load_gather(table_v,
                                  [cbuf[pl.ds(base + LANES, LANES)]])
            g2 = plsc.load_gather(table_v,
                                  [cbuf[pl.ds(base + 2 * LANES, LANES)]])
            g3 = plsc.load_gather(table_v,
                                  [cbuf[pl.ds(base + 3 * LANES, LANES)]])
            v0 = vbuf[pl.ds(base, LANES)]
            v1 = vbuf[pl.ds(base + LANES, LANES)]
            v2 = vbuf[pl.ds(base + 2 * LANES, LANES)]
            v3 = vbuf[pl.ds(base + 3 * LANES, LANES)]
            acc = (g0 * v0 + g1 * v1) + (g2 * v2 + g3 * v3)
            cum = plsc.cumsum(acc)
            plsc.addupdate_scatter(
                out_v, [jnp.full((LANES,), row0 + r, jnp.int32)], cum,
                mask=last_mask)

    pltpu.async_copy(out_v, out_hbm.at[pl.ds(base_row, ROWS_PER_WORKER)],
                     sem_t).wait()


@jax.jit
def _spmv(table, cols, values, bias):
    mesh = plsc.VectorSubcoreMesh(core_axis_name="c", subcore_axis_name="s")
    cp = pltpu.CompilerParams()
    if "needs_layout_passes" in pltpu.CompilerParams.__dataclass_fields__:
        cp = dataclasses.replace(cp, needs_layout_passes=False)
    kern = pl.kernel(
        _spmv_kernel,
        out_type=jax.ShapeDtypeStruct((N_ROWS,), jnp.float32),
        mesh=mesh,
        scratch_types=[
            pltpu.MemorySpace.VMEM_SHARED((N_COLS,), jnp.float32),
            pltpu.VMEM((N_COLS,), jnp.float32),
            pltpu.VMEM((2 * CHUNK_NNZ,), jnp.int32),
            pltpu.VMEM((2 * CHUNK_NNZ,), jnp.float32),
            pltpu.VMEM((ROWS_PER_WORKER,), jnp.float32),
            pltpu.SemaphoreType.DMA,
            pltpu.SemaphoreType.DMA,
            pltpu.SemaphoreType.DMA,
        ],
        compiler_params=cp,
    )
    return kern(table, cols, values, bias)


def kernel(layer_input, rows, cols, values, bias):
    del rows
    table = layer_input.reshape(N_COLS)
    return _spmv(table, cols, values, bias)

# --- scband reference (transcript-rebuilt; emitter-appended) ---
"""Pipeline reference for scband-sparse-pre-pruned-layer-35510789604085 (READ-ONLY COPY).

The authoritative reference and input builder live on the scoring server;
editing this copy changes nothing except your own understanding.
"""

import jax, jax.numpy as jnp
import numpy as np

N_ROWS = 65536
N_COLS = 65536
NNZ_PER_ROW = 64
NNZ = N_ROWS * NNZ_PER_ROW


def setup_inputs(seed: int = 0) -> dict:
    key = jax.random.key(seed)
    k1, k2, k3, k4 = jax.random.split(key, 4)
    # forward arg
    layer_input = jax.random.normal(k1, (N_COLS, 1), dtype=jnp.float32)
    # learned sparse weight matrix in COO form (built from `distances` in the
    # torch module: row index repeated per neighbor, neighbor column ids,
    # normal-initialized values)
    rows = jnp.repeat(jnp.arange(N_ROWS, dtype=jnp.int32), NNZ_PER_ROW)
    cols = jax.random.randint(k2, (NNZ,), 0, N_COLS, dtype=jnp.int32)
    values = jax.random.normal(k3, (NNZ,), dtype=jnp.float32)
    # bias, normal-initialized, length = number of rows (len(distances))
    bias = jax.random.normal(k4, (N_ROWS,), dtype=jnp.float32)
    return {"layer_input": layer_input, "rows": rows, "cols": cols,
            "values": values, "bias": bias}


def reference(layer_input, rows, cols, values, bias):
    # torch.sparse.mm(weights, layer_input).squeeze(1) + bias
    # COO spmv: out[r] = sum_{nnz with row r} values * layer_input[col, 0]
    gathered = jnp.take(layer_input[:, 0], cols)          # gather  [NNZ]
    contrib = values * gathered                            # elementwise
    x = jax.ops.segment_sum(contrib, rows, num_segments=N_ROWS)  # scatter-add
    return x + bias

if __name__ == "__main__":
    import jax
    _d = setup_inputs()
    print(jax.jit(kernel)(*tuple(_d.values())))

</pallas_src>

<mosaic_0001>
#map = affine_map<(d0, d1) -> (0)>
module attributes {stable_mosaic.version = 14 : i64} {
  func.func @_spmv_kernel(%arg0: i32, %arg1: i32, %arg2: memref<65536xf32, #tpu.memory_space<hbm>>, %arg3: memref<4194304xi32, #tpu.memory_space<hbm>>, %arg4: memref<4194304xf32, #tpu.memory_space<hbm>>, %arg5: memref<65536xf32, #tpu.memory_space<hbm>>, %arg6: memref<65536xf32, #tpu.memory_space<hbm>>, %arg7: memref<65536xf32, #tpu.memory_space<vmem_shared>>, %arg8: memref<65536xf32, #tpu.memory_space<vmem>>, %arg9: memref<16384xi32, #tpu.memory_space<vmem>>, %arg10: memref<16384xf32, #tpu.memory_space<vmem>>, %arg11: memref<2048xf32, #tpu.memory_space<vmem>>, %arg12: memref<!tpu.dma_semaphore, #tpu.memory_space<semaphore_mem>>, %arg13: memref<!tpu.dma_semaphore, #tpu.memory_space<semaphore_mem>>, %arg14: memref<!tpu.dma_semaphore, #tpu.memory_space<semaphore_mem>>) attributes {dimension_semantics = [#tpu.dimension_semantics<core_parallel>, #tpu.dimension_semantics<subcore_parallel>], iteration_bounds = array<i64: 2, 16>, scalar_prefetch = 0 : i64, scratch_operands = 8 : i64, tpu.core_type = #tpu.core_type<sc_vector_subcore>, window_params = [{transform_indices = #map}, {transform_indices = #map}, {transform_indices = #map}, {transform_indices = #map}, {transform_indices = #map}]} {
    %mul3A = arith.constant 2 : i32
    %mul3A_0 = arith.muli %arg1, %mul3A : i32
    %add3A = arith.addi %mul3A_0, %arg0 : i32
    %mul3A_1 = arith.constant 2048 : i32
    %mul3A_2 = arith.muli %add3A, %mul3A_1 : i32
    %mul3A_3 = arith.constant 4096 : i32
    %mul3A_4 = arith.muli %arg1, %mul3A_3 : i32
    %dma_start3A = tpu.memref_slice %arg5[%mul3A_2] : memref<65536xf32, #tpu.memory_space<hbm>> -> memref<2048xf32, #tpu.memory_space<hbm>>
    %dma_start3A_5 = tpu.memref_slice %arg5[%mul3A_2] : memref<65536xf32, #tpu.memory_space<hbm>> -> memref<2048xf32, #tpu.memory_space<hbm>>
    tpu.enqueue_dma source(%dma_start3A_5 : memref<2048xf32, #tpu.memory_space<hbm>>) target(%arg11 : memref<2048xf32, #tpu.memory_space<vmem>>) target_semaphore(%arg12 : memref<!tpu.dma_semaphore, #tpu.memory_space<semaphore_mem>>)
    %dma_start3A_6 = tpu.memref_slice %arg7[%mul3A_4] : memref<65536xf32, #tpu.memory_space<vmem_shared>> -> memref<4096xf32, #tpu.memory_space<vmem_shared>>
    %dma_start3A_7 = tpu.memref_slice %arg2[%mul3A_4] : memref<65536xf32, #tpu.memory_space<hbm>> -> memref<4096xf32, #tpu.memory_space<hbm>>
    tpu.enqueue_dma source(%dma_start3A_7 : memref<4096xf32, #tpu.memory_space<hbm>>) target(%dma_start3A_6 : memref<4096xf32, #tpu.memory_space<vmem_shared>>) target_semaphore(%arg12 : memref<!tpu.dma_semaphore, #tpu.memory_space<semaphore_mem>>)
    %dma_wait3A = tpu.memref_slice %arg7[%mul3A_4] : memref<65536xf32, #tpu.memory_space<vmem_shared>> -> memref<4096xf32, #tpu.memory_space<vmem_shared>>
    %dma_wait3A_8 = tpu.memref_slice %arg2[%mul3A_4] : memref<65536xf32, #tpu.memory_space<hbm>> -> memref<4096xf32, #tpu.memory_space<hbm>>
    tpu.wait_dma2 semaphore(%arg12 : memref<!tpu.dma_semaphore, #tpu.memory_space<semaphore_mem>>) src(%dma_wait3A_8 : memref<4096xf32, #tpu.memory_space<hbm>>) dst(%dma_wait3A : memref<4096xf32, #tpu.memory_space<vmem_shared>>)
    %add3A_9 = arith.constant 0 : i32
    %add3A_10 = arith.addi %mul3A_2, %add3A_9 : i32
    %mul3A_11 = arith.constant 64 : i32
    %mul3A_12 = arith.muli %add3A_10, %mul3A_11 : i32
    %dma_start3A_13 = arith.constant 0 : i32
    %dma_start3A_14 = tpu.memref_slice %arg9[%dma_start3A_13] : memref<16384xi32, #tpu.memory_space<vmem>> -> memref<8192xi32, #tpu.memory_space<vmem>>
    %dma_start3A_15 = tpu.memref_slice %arg3[%mul3A_12] : memref<4194304xi32, #tpu.memory_space<hbm>> -> memref<8192xi32, #tpu.memory_space<hbm>>
    %dma_start3A_16 = arith.constant 0 : i32
    %dma_start3A_17 = tpu.memref_slice %arg9[%dma_start3A_16] : memref<16384xi32, #tpu.memory_space<vmem>> -> memref<8192xi32, #tpu.memory_space<vmem>>
    %dma_start3A_18 = tpu.memref_slice %arg3[%mul3A_12] : memref<4194304xi32, #tpu.memory_space<hbm>> -> memref<8192xi32, #tpu.memory_space<hbm>>
    tpu.enqueue_dma source(%dma_start3A_18 : memref<8192xi32, #tpu.memory_space<hbm>>) target(%dma_start3A_17 : memref<8192xi32, #tpu.memory_space<vmem>>) target_semaphore(%arg13 : memref<!tpu.dma_semaphore, #tpu.memory_space<semaphore_mem>>)
    %dma_start3A_19 = arith.constant 0 : i32
    %dma_start3A_20 = tpu.memref_slice %arg10[%dma_start3A_19] : memref<16384xf32, #tpu.memory_space<vmem>> -> memref<8192xf32, #tpu.memory_space<vmem>>
    %dma_start3A_21 = tpu.memref_slice %arg4[%mul3A_12] : memref<4194304xf32, #tpu.memory_space<hbm>> -> memref<8192xf32, #tpu.memory_space<hbm>>
    %dma_start3A_22 = arith.constant 0 : i32
    %dma_start3A_23 = tpu.memref_slice %arg10[%dma_start3A_22] : memref<16384xf32, #tpu.memory_space<vmem>> -> memref<8192xf32, #tpu.memory_space<vmem>>
    %dma_start3A_24 = tpu.memref_slice %arg4[%mul3A_12] : memref<4194304xf32, #tpu.memory_space<hbm>> -> memref<8192xf32, #tpu.memory_space<hbm>>
    tpu.enqueue_dma source(%dma_start3A_24 : memref<8192xf32, #tpu.memory_space<hbm>>) target(%dma_start3A_23 : memref<8192xf32, #tpu.memory_space<vmem>>) target_semaphore(%arg13 : memref<!tpu.dma_semaphore, #tpu.memory_space<semaphore_mem>>)
    %barrier3A = arith.constant 0 : index
    tpu.barrier barrier_id(%barrier3A)
    tpu.enqueue_dma source(%arg7 : memref<65536xf32, #tpu.memory_space<vmem_shared>>) target(%arg8 : memref<65536xf32, #tpu.memory_space<vmem>>) target_semaphore(%arg12 : memref<!tpu.dma_semaphore, #tpu.memory_space<semaphore_mem>>)
    %dma_wait3A_25 = tpu.memref_slice %arg5[%mul3A_2] : memref<65536xf32, #tpu.memory_space<hbm>> -> memref<2048xf32, #tpu.memory_space<hbm>>
    %dma_wait3A_26 = tpu.memref_slice %arg5[%mul3A_2] : memref<65536xf32, #tpu.memory_space<hbm>> -> memref<2048xf32, #tpu.memory_space<hbm>>
    tpu.wait_dma2 semaphore(%arg12 : memref<!tpu.dma_semaphore, #tpu.memory_space<semaphore_mem>>) src(%dma_wait3A_26 : memref<2048xf32, #tpu.memory_space<hbm>>) dst(%arg11 : memref<2048xf32, #tpu.memory_space<vmem>>)
    tpu.wait_dma2 semaphore(%arg12 : memref<!tpu.dma_semaphore, #tpu.memory_space<semaphore_mem>>) src(%arg7 : memref<65536xf32, #tpu.memory_space<vmem_shared>>) dst(%arg8 : memref<65536xf32, #tpu.memory_space<vmem>>)
    %iota3A = tpu.iota {dimensions = array<i32: 0>} : vector<16xi32>
    %eq3A = arith.constant 15 : i32
    %eq3A_27 = vector.broadcast %eq3A : i32 to vector<16xi32>
    %eq3A_28 = arith.cmpi eq, %iota3A, %eq3A_27 : vector<16xi32>
    %scan3A = arith.constant 0 : i32
    %scan3A_29 = arith.constant 8 : i32
    %scan3A_30 = arith.addi %scan3A, %scan3A_29 : i32
    %scan3A_31 = arith.constant 1 : i32
    scf.for %scan3A_37 = %scan3A to %scan3A_30 step %scan3A_31  : i32 {
      %mul3A_38 = arith.constant 2 : i32
      %mul3A_39 = arith.muli %scan3A_37, %mul3A_38 : i32
      %add3A_40 = arith.constant 0 : i32
      %add3A_41 = arith.addi %add3A_40, %mul3A_39 : i32
      %add3A_42 = arith.constant 0 : i32
      %add3A_43 = arith.addi %add3A_41, %add3A_42 : i32
      %add3A_44 = arith.constant 1 : i32
      %add3A_45 = arith.addi %add3A_43, %add3A_44 : i32
      %lt3A = arith.constant 16 : i32
      %lt3A_46 = arith.cmpi slt, %add3A_45, %lt3A : i32
      %convert_element_type3A = arith.extui %lt3A_46 : i1 to i32
      %cond3A = arith.constant 0 : i32
      %cond3A_47 = arith.cmpi ne, %convert_element_type3A, %cond3A : i32
      scf.if %cond3A_47 {
        %mul3A_100 = arith.constant 128 : i32
        %mul3A_101 = arith.muli %add3A_45, %mul3A_100 : i32
        %add3A_102 = arith.addi %mul3A_2, %mul3A_101 : i32
        %mul3A_103 = arith.constant 64 : i32
        %mul3A_104 = arith.muli %add3A_102, %mul3A_103 : i32
        %dma_start3A_105 = arith.constant 8192 : i32
        %dma_start3A_106 = tpu.memref_slice %arg9[%dma_start3A_105] : memref<16384xi32, #tpu.memory_space<vmem>> -> memref<8192xi32, #tpu.memory_space<vmem>>
        %dma_start3A_107 = tpu.memref_slice %arg3[%mul3A_104] : memref<4194304xi32, #tpu.memory_space<hbm>> -> memref<8192xi32, #tpu.memory_space<hbm>>
        %dma_start3A_108 = arith.constant 8192 : i32
        %dma_start3A_109 = tpu.memref_slice %arg9[%dma_start3A_108] : memref<16384xi32, #tpu.memory_space<vmem>> -> memref<8192xi32, #tpu.memory_space<vmem>>
        %dma_start3A_110 = tpu.memref_slice %arg3[%mul3A_104] : memref<4194304xi32, #tpu.memory_space<hbm>> -> memref<8192xi32, #tpu.memory_space<hbm>>
        tpu.enqueue_dma source(%dma_start3A_110 : memref<8192xi32, #tpu.memory_space<hbm>>) target(%dma_start3A_109 : memref<8192xi32, #tpu.memory_space<vmem>>) target_semaphore(%arg14 : memref<!tpu.dma_semaphore, #tpu.memory_space<semaphore_mem>>)
        %dma_start3A_111 = arith.constant 8192 : i32
        %dma_start3A_112 = tpu.memref_slice %arg10[%dma_start3A_111] : memref<16384xf32, #tpu.memory_space<vmem>> -> memref<8192xf32, #tpu.memory_space<vmem>>
        %dma_start3A_113 = tpu.memref_slice %arg4[%mul3A_104] : memref<4194304xf32, #tpu.memory_space<hbm>> -> memref<8192xf32, #tpu.memory_space<hbm>>
        %dma_start3A_114 = arith.constant 8192 : i32
        %dma_start3A_115 = tpu.memref_slice %arg10[%dma_start3A_114] : memref<16384xf32, #tpu.memory_space<vmem>> -> memref<8192xf32, #tpu.memory_space<vmem>>
        %dma_start3A_116 = tpu.memref_slice %arg4[%mul3A_104] : memref<4194304xf32, #tpu.memory_space<hbm>> -> memref<8192xf32, #tpu.memory_space<hbm>>
        tpu.enqueue_dma source(%dma_start3A_116 : memref<8192xf32, #tpu.memory_space<hbm>>) target(%dma_start3A_115 : memref<8192xf32, #tpu.memory_space<vmem>>) target_semaphore(%arg14 : memref<!tpu.dma_semaphore, #tpu.memory_space<semaphore_mem>>)
      } else {
      }
      %mul3A_48 = arith.constant 128 : i32
      %mul3A_49 = arith.muli %add3A_43, %mul3A_48 : i32
      %add3A_50 = arith.addi %mul3A_2, %mul3A_49 : i32
      %mul3A_51 = arith.constant 64 : i32
      %mul3A_52 = arith.muli %add3A_50, %mul3A_51 : i32
      %dma_wait3A_53 = arith.constant 0 : i32
      %dma_wait3A_54 = tpu.memref_slice %arg9[%dma_wait3A_53] : memref<16384xi32, #tpu.memory_space<vmem>> -> memref<8192xi32, #tpu.memory_space<vmem>>
      %dma_wait3A_55 = tpu.memref_slice %arg3[%mul3A_52] : memref<4194304xi32, #tpu.memory_space<hbm>> -> memref<8192xi32, #tpu.memory_space<hbm>>
      %dma_wait3A_56 = arith.constant 0 : i32
      %dma_wait3A_57 = tpu.memref_slice %arg9[%dma_wait3A_56] : memref<16384xi32, #tpu.memory_space<vmem>> -> memref<8192xi32, #tpu.memory_space<vmem>>
      %dma_wait3A_58 = tpu.memref_slice %arg3[%mul3A_52] : memref<4194304xi32, #tpu.memory_space<hbm>> -> memref<8192xi32, #tpu.memory_space<hbm>>
      tpu.wait_dma2 semaphore(%arg13 : memref<!tpu.dma_semaphore, #tpu.memory_space<semaphore_mem>>) src(%dma_wait3A_58 : memref<8192xi32, #tpu.memory_space<hbm>>) dst(%dma_wait3A_57 : memref<8192xi32, #tpu.memory_space<vmem>>)
      %dma_wait3A_59 = arith.constant 0 : i32
      %dma_wait3A_60 = tpu.memref_slice %arg10[%dma_wait3A_59] : memref<16384xf32, #tpu.memory_space<vmem>> -> memref<8192xf32, #tpu.memory_space<vmem>>
      %dma_wait3A_61 = tpu.memref_slice %arg4[%mul3A_52] : memref<4194304xf32, #tpu.memory_space<hbm>> -> memref<8192xf32, #tpu.memory_space<hbm>>
      %dma_wait3A_62 = arith.constant 0 : i32
      %dma_wait3A_63 = tpu.memref_slice %arg10[%dma_wait3A_62] : memref<16384xf32, #tpu.memory_space<vmem>> -> memref<8192xf32, #tpu.memory_space<vmem>>
      %dma_wait3A_64 = tpu.memref_slice %arg4[%mul3A_52] : memref<4194304xf32, #tpu.memory_space<hbm>> -> memref<8192xf32, #tpu.memory_space<hbm>>
      tpu.wait_dma2 semaphore(%arg13 : memref<!tpu.dma_semaphore, #tpu.memory_space<semaphore_mem>>) src(%dma_wait3A_64 : memref<8192xf32, #tpu.memory_space<hbm>>) dst(%dma_wait3A_63 : memref<8192xf32, #tpu.memory_space<vmem>>)
      %mul3A_65 = arith.constant 128 : i32
      %mul3A_66 = arith.muli %add3A_43, %mul3A_65 : i32
      %parallel_loop3A = arith.constant 0 : i32
      %parallel_loop3A_67 = arith.constant 128 : i32
      %parallel_loop3A_68 = arith.constant 1 : i32
      scf.for %parallel_loop3A_100 = %parallel_loop3A to %parallel_loop3A_67 step %parallel_loop3A_68  : i32 {
        %parallel_loop3A_101 = arith.constant 64 : i32
        %parallel_loop3A_102 = arith.muli %parallel_loop3A_100, %parallel_loop3A_101 : i32
        %parallel_loop3A_103 = arith.constant 0 : i32
        %parallel_loop3A_104 = arith.addi %parallel_loop3A_103, %parallel_loop3A_102 : i32
        %parallel_loop3A_105 = arith.index_cast %parallel_loop3A_104 : i32 to index
        %parallel_loop3A_106 = tpu.vector_load %arg9[%parallel_loop3A_105] {strides = array<i32>} : memref<16384xi32, #tpu.memory_space<vmem>>, vector<16xi32>,
        %parallel_loop3A_107 = tpu.vector_load_idx %arg8[%parallel_loop3A_106] : memref<65536xf32, #tpu.memory_space<vmem>>[vector<16xi32>], vector<16xf32>,
        %parallel_loop3A_108 = arith.constant 16 : i32
        %parallel_loop3A_109 = arith.addi %parallel_loop3A_104, %parallel_loop3A_108 : i32
        %parallel_loop3A_110 = arith.index_cast %parallel_loop3A_109 : i32 to index
        %parallel_loop3A_111 = tpu.vector_load %arg9[%parallel_loop3A_110] {strides = array<i32>} : memref<16384xi32, #tpu.memory_space<vmem>>, vector<16xi32>,
        %parallel_loop3A_112 = tpu.vector_load_idx %arg8[%parallel_loop3A_111] : memref<65536xf32, #tpu.memory_space<vmem>>[vector<16xi32>], vector<16xf32>,
        %parallel_loop3A_113 = arith.constant 32 : i32
        %parallel_loop3A_114 = arith.addi %parallel_loop3A_104, %parallel_loop3A_113 : i32
        %parallel_loop3A_115 = arith.index_cast %parallel_loop3A_114 : i32 to index
        %parallel_loop3A_116 = tpu.vector_load %arg9[%parallel_loop3A_115] {strides = array<i32>} : memref<16384xi32, #tpu.memory_space<vmem>>, vector<16xi32>,
        %parallel_loop3A_117 = tpu.vector_load_idx %arg8[%parallel_loop3A_116] : memref<65536xf32, #tpu.memory_space<vmem>>[vector<16xi32>], vector<16xf32>,
        %parallel_loop3A_118 = arith.constant 48 : i32
        %parallel_loop3A_119 = arith.addi %parallel_loop3A_104, %parallel_loop3A_118 : i32
        %parallel_loop3A_120 = arith.index_cast %parallel_loop3A_119 : i32 to index
        %parallel_loop3A_121 = tpu.vector_load %arg9[%parallel_loop3A_120] {strides = array<i32>} : memref<16384xi32, #tpu.memory_space<vmem>>, vector<16xi32>,
        %parallel_loop3A_122 = tpu.vector_load_idx %arg8[%parallel_loop3A_121] : memref<65536xf32, #tpu.memory_space<vmem>>[vector<16xi32>], vector<16xf32>,
        %parallel_loop3A_123 = arith.index_cast %parallel_loop3A_104 : i32 to index
        %parallel_loop3A_124 = tpu.vector_load %arg10[%parallel_loop3A_123] {strides = array<i32>} : memref<16384xf32, #tpu.memory_space<vmem>>, vector<16xf32>,
        %parallel_loop3A_125 = arith.constant 16 : i32
        %parallel_loop3A_126 = arith.addi %parallel_loop3A_104, %parallel_loop3A_125 : i32
        %parallel_loop3A_127 = arith.index_cast %parallel_loop3A_126 : i32 to index
        %parallel_loop3A_128 = tpu.vector_load %arg10[%parallel_loop3A_127] {strides = array<i32>} : memref<16384xf32, #tpu.memory_space<vmem>>, vector<16xf32>,
        %parallel_loop3A_129 = arith.constant 32 : i32
        %parallel_loop3A_130 = arith.addi %parallel_loop3A_104, %parallel_loop3A_129 : i32
        %parallel_loop3A_131 = arith.index_cast %parallel_loop3A_130 : i32 to index
        %parallel_loop3A_132 = tpu.vector_load %arg10[%parallel_loop3A_131] {strides = array<i32>} : memref<16384xf32, #tpu.memory_space<vmem>>, vector<16xf32>,
        %parallel_loop3A_133 = arith.constant 48 : i32
        %parallel_loop3A_134 = arith.addi %parallel_loop3A_104, %parallel_loop3A_133 : i32
        %parallel_loop3A_135 = arith.index_cast %parallel_loop3A_134 : i32 to index
        %parallel_loop3A_136 = tpu.vector_load %arg10[%parallel_loop3A_135] {strides = array<i32>} : memref<16384xf32, #tpu.memory_space<vmem>>, vector<16xf32>,
        %parallel_loop3A_137 = arith.mulf %parallel_loop3A_107, %parallel_loop3A_124 : vector<16xf32>
        %parallel_loop3A_138 = arith.mulf %parallel_loop3A_112, %parallel_loop3A_128 : vector<16xf32>
        %parallel_loop3A_139 = arith.addf %parallel_loop3A_137, %parallel_loop3A_138 : vector<16xf32>
        %parallel_loop3A_140 = arith.mulf %parallel_loop3A_117, %parallel_loop3A_132 : vector<16xf32>
        %parallel_loop3A_141 = arith.mulf %parallel_loop3A_122, %parallel_loop3A_136 : vector<16xf32>
        %parallel_loop3A_142 = arith.addf %parallel_loop3A_140, %parallel_loop3A_141 : vector<16xf32>
        %parallel_loop3A_143 = arith.addf %parallel_loop3A_139, %parallel_loop3A_142 : vector<16xf32>
        %parallel_loop3A_144 = arith.constant true
        %parallel_loop3A_145 = vector.broadcast %parallel_loop3A_144 : i1 to vector<16xi1>
        %parallel_loop3A_146 = tpu.scan <sum>, %parallel_loop3A_143 masked %parallel_loop3A_145 : vector<16xf32>, vector<16xi1> -> vector<16xf32>
        %parallel_loop3A_147 = arith.addi %mul3A_66, %parallel_loop3A_100 : i32
        %parallel_loop3A_148 = vector.broadcast %parallel_loop3A_147 : i32 to vector<16xi32>
        tpu.vector_store_idx %arg11[%parallel_loop3A_148], %parallel_loop3A_146 masked %eq3A_28 {add = true} : memref<2048xf32, #tpu.memory_space<vmem>>[vector<16xi32>], vector<16xf32>, vector<16xi1>
      } {sc.loop_unroll_factor = 4 : i64, sc.parallel_access}
      %add3A_69 = arith.constant 1 : i32
      %add3A_70 = arith.addi %add3A_41, %add3A_69 : i32
      %add3A_71 = arith.constant 1 : i32
      %add3A_72 = arith.addi %add3A_70, %add3A_71 : i32
      %lt3A_73 = arith.constant 16 : i32
      %lt3A_74 = arith.cmpi slt, %add3A_72, %lt3A_73 : i32
      %convert_element_type3A_75 = arith.extui %lt3A_74 : i1 to i32
      %cond3A_76 = arith.constant 0 : i32
      %cond3A_77 = arith.cmpi ne, %convert_element_type3A_75, %cond3A_76 : i32
      scf.if %cond3A_77 {
        %mul3A_100 = arith.constant 128 : i32
        %mul3A_101 = arith.muli %add3A_72, %mul3A_100 : i32
        %add3A_102 = arith.addi %mul3A_2, %mul3A_101 : i32
        %mul3A_103 = arith.constant 64 : i32
        %mul3A_104 = arith.muli %add3A_102, %mul3A_103 : i32
        %dma_start3A_105 = arith.constant 0 : i32
        %dma_start3A_106 = tpu.memref_slice %arg9[%dma_start3A_105] : memref<16384xi32, #tpu.memory_space<vmem>> -> memref<8192xi32, #tpu.memory_space<vmem>>
        %dma_start3A_107 = tpu.memref_slice %arg3[%mul3A_104] : memref<4194304xi32, #tpu.memory_space<hbm>> -> memref<8192xi32, #tpu.memory_space<hbm>>
        %dma_start3A_108 = arith.constant 0 : i32
        %dma_start3A_109 = tpu.memref_slice %arg9[%dma_start3A_108] : memref<16384xi32, #tpu.memory_space<vmem>> -> memref<8192xi32, #tpu.memory_space<vmem>>
        %dma_start3A_110 = tpu.memref_slice %arg3[%mul3A_104] : memref<4194304xi32, #tpu.memory_space<hbm>> -> memref<8192xi32, #tpu.memory_space<hbm>>
        tpu.enqueue_dma source(%dma_start3A_110 : memref<8192xi32, #tpu.memory_space<hbm>>) target(%dma_start3A_109 : memref<8192xi32, #tpu.memory_space<vmem>>) target_semaphore(%arg13 : memref<!tpu.dma_semaphore, #tpu.memory_space<semaphore_mem>>)
        %dma_start3A_111 = arith.constant 0 : i32
        %dma_start3A_112 = tpu.memref_slice %arg10[%dma_start3A_111] : memref<16384xf32, #tpu.memory_space<vmem>> -> memref<8192xf32, #tpu.memory_space<vmem>>
        %dma_start3A_113 = tpu.memref_slice %arg4[%mul3A_104] : memref<4194304xf32, #tpu.memory_space<hbm>> -> memref<8192xf32, #tpu.memory_space<hbm>>
        %dma_start3A_114 = arith.constant 0 : i32
        %dma_start3A_115 = tpu.memref_slice %arg10[%dma_start3A_114] : memref<16384xf32, #tpu.memory_space<vmem>> -> memref<8192xf32, #tpu.memory_space<vmem>>
        %dma_start3A_116 = tpu.memref_slice %arg4[%mul3A_104] : memref<4194304xf32, #tpu.memory_space<hbm>> -> memref<8192xf32, #tpu.memory_space<hbm>>
        tpu.enqueue_dma source(%dma_start3A_116 : memref<8192xf32, #tpu.memory_space<hbm>>) target(%dma_start3A_115 : memref<8192xf32, #tpu.memory_space<vmem>>) target_semaphore(%arg13 : memref<!tpu.dma_semaphore, #tpu.memory_space<semaphore_mem>>)
      } else {
      }
      %mul3A_78 = arith.constant 128 : i32
      %mul3A_79 = arith.muli %add3A_70, %mul3A_78 : i32
      %add3A_80 = arith.addi %mul3A_2, %mul3A_79 : i32
      %mul3A_81 = arith.constant 64 : i32
      %mul3A_82 = arith.muli %add3A_80, %mul3A_81 : i32
      %dma_wait3A_83 = arith.constant 8192 : i32
      %dma_wait3A_84 = tpu.memref_slice %arg9[%dma_wait3A_83] : memref<16384xi32, #tpu.memory_space<vmem>> -> memref<8192xi32, #tpu.memory_space<vmem>>
      %dma_wait3A_85 = tpu.memref_slice %arg3[%mul3A_82] : memref<4194304xi32, #tpu.memory_space<hbm>> -> memref<8192xi32, #tpu.memory_space<hbm>>
      %dma_wait3A_86 = arith.constant 8192 : i32
      %dma_wait3A_87 = tpu.memref_slice %arg9[%dma_wait3A_86] : memref<16384xi32, #tpu.memory_space<vmem>> -> memref<8192xi32, #tpu.memory_space<vmem>>
      %dma_wait3A_88 = tpu.memref_slice %arg3[%mul3A_82] : memref<4194304xi32, #tpu.memory_space<hbm>> -> memref<8192xi32, #tpu.memory_space<hbm>>
      tpu.wait_dma2 semaphore(%arg14 : memref<!tpu.dma_semaphore, #tpu.memory_space<semaphore_mem>>) src(%dma_wait3A_88 : memref<8192xi32, #tpu.memory_space<hbm>>) dst(%dma_wait3A_87 : memref<8192xi32, #tpu.memory_space<vmem>>)
      %dma_wait3A_89 = arith.constant 8192 : i32
      %dma_wait3A_90 = tpu.memref_slice %arg10[%dma_wait3A_89] : memref<16384xf32, #tpu.memory_space<vmem>> -> memref<8192xf32, #tpu.memory_space<vmem>>
      %dma_wait3A_91 = tpu.memref_slice %arg4[%mul3A_82] : memref<4194304xf32, #tpu.memory_space<hbm>> -> memref<8192xf32, #tpu.memory_space<hbm>>
      %dma_wait3A_92 = arith.constant 8192 : i32
      %dma_wait3A_93 = tpu.memref_slice %arg10[%dma_wait3A_92] : memref<16384xf32, #tpu.memory_space<vmem>> -> memref<8192xf32, #tpu.memory_space<vmem>>
      %dma_wait3A_94 = tpu.memref_slice %arg4[%mul3A_82] : memref<4194304xf32, #tpu.memory_space<hbm>> -> memref<8192xf32, #tpu.memory_space<hbm>>
      tpu.wait_dma2 semaphore(%arg14 : memref<!tpu.dma_semaphore, #tpu.memory_space<semaphore_mem>>) src(%dma_wait3A_94 : memref<8192xf32, #tpu.memory_space<hbm>>) dst(%dma_wait3A_93 : memref<8192xf32, #tpu.memory_space<vmem>>)
      %mul3A_95 = arith.constant 128 : i32
      %mul3A_96 = arith.muli %add3A_70, %mul3A_95 : i32
      %parallel_loop3A_97 = arith.constant 0 : i32
      %parallel_loop3A_98 = arith.constant 128 : i32
      %parallel_loop3A_99 = arith.constant 1 : i32
      scf.for %parallel_loop3A_100 = %parallel_loop3A_97 to %parallel_loop3A_98 step %parallel_loop3A_99  : i32 {
        %parallel_loop3A_101 = arith.constant 64 : i32
        %parallel_loop3A_102 = arith.muli %parallel_loop3A_100, %parallel_loop3A_101 : i32
        %parallel_loop3A_103 = arith.constant 8192 : i32
        %parallel_loop3A_104 = arith.addi %parallel_loop3A_103, %parallel_loop3A_102 : i32
        %parallel_loop3A_105 = arith.index_cast %parallel_loop3A_104 : i32 to index
        %parallel_loop3A_106 = tpu.vector_load %arg9[%parallel_loop3A_105] {strides = array<i32>} : memref<16384xi32, #tpu.memory_space<vmem>>, vector<16xi32>,
        %parallel_loop3A_107 = tpu.vector_load_idx %arg8[%parallel_loop3A_106] : memref<65536xf32, #tpu.memory_space<vmem>>[vector<16xi32>], vector<16xf32>,
        %parallel_loop3A_108 = arith.constant 16 : i32
        %parallel_loop3A_109 = arith.addi %parallel_loop3A_104, %parallel_loop3A_108 : i32
        %parallel_loop3A_110 = arith.index_cast %parallel_loop3A_109 : i32 to index
        %parallel_loop3A_111 = tpu.vector_load %arg9[%parallel_loop3A_110] {strides = array<i32>} : memref<16384xi32, #tpu.memory_space<vmem>>, vector<16xi32>,
        %parallel_loop3A_112 = tpu.vector_load_idx %arg8[%parallel_loop3A_111] : memref<65536xf32, #tpu.memory_space<vmem>>[vector<16xi32>], vector<16xf32>,
        %parallel_loop3A_113 = arith.constant 32 : i32
        %parallel_loop3A_114 = arith.addi %parallel_loop3A_104, %parallel_loop3A_113 : i32
        %parallel_loop3A_115 = arith.index_cast %parallel_loop3A_114 : i32 to index
        %parallel_loop3A_116 = tpu.vector_load %arg9[%parallel_loop3A_115] {strides = array<i32>} : memref<16384xi32, #tpu.memory_space<vmem>>, vector<16xi32>,
        %parallel_loop3A_117 = tpu.vector_load_idx %arg8[%parallel_loop3A_116] : memref<65536xf32, #tpu.memory_space<vmem>>[vector<16xi32>], vector<16xf32>,
        %parallel_loop3A_118 = arith.constant 48 : i32
        %parallel_loop3A_119 = arith.addi %parallel_loop3A_104, %parallel_loop3A_118 : i32
        %parallel_loop3A_120 = arith.index_cast %parallel_loop3A_119 : i32 to index
        %parallel_loop3A_121 = tpu.vector_load %arg9[%parallel_loop3A_120] {strides = array<i32>} : memref<16384xi32, #tpu.memory_space<vmem>>, vector<16xi32>,
        %parallel_loop3A_122 = tpu.vector_load_idx %arg8[%parallel_loop3A_121] : memref<65536xf32, #tpu.memory_space<vmem>>[vector<16xi32>], vector<16xf32>,
        %parallel_loop3A_123 = arith.index_cast %parallel_loop3A_104 : i32 to index
        %parallel_loop3A_124 = tpu.vector_load %arg10[%parallel_loop3A_123] {strides = array<i32>} : memref<16384xf32, #tpu.memory_space<vmem>>, vector<16xf32>,
        %parallel_loop3A_125 = arith.constant 16 : i32
        %parallel_loop3A_126 = arith.addi %parallel_loop3A_104, %parallel_loop3A_125 : i32
        %parallel_loop3A_127 = arith.index_cast %parallel_loop3A_126 : i32 to index
        %parallel_loop3A_128 = tpu.vector_load %arg10[%parallel_loop3A_127] {strides = array<i32>} : memref<16384xf32, #tpu.memory_space<vmem>>, vector<16xf32>,
        %parallel_loop3A_129 = arith.constant 32 : i32
        %parallel_loop3A_130 = arith.addi %parallel_loop3A_104, %parallel_loop3A_129 : i32
        %parallel_loop3A_131 = arith.index_cast %parallel_loop3A_130 : i32 to index
        %parallel_loop3A_132 = tpu.vector_load %arg10[%parallel_loop3A_131] {strides = array<i32>} : memref<16384xf32, #tpu.memory_space<vmem>>, vector<16xf32>,
        %parallel_loop3A_133 = arith.constant 48 : i32
        %parallel_loop3A_134 = arith.addi %parallel_loop3A_104, %parallel_loop3A_133 : i32
        %parallel_loop3A_135 = arith.index_cast %parallel_loop3A_134 : i32 to index
        %parallel_loop3A_136 = tpu.vector_load %arg10[%parallel_loop3A_135] {strides = array<i32>} : memref<16384xf32, #tpu.memory_space<vmem>>, vector<16xf32>,
        %parallel_loop3A_137 = arith.mulf %parallel_loop3A_107, %parallel_loop3A_124 : vector<16xf32>
        %parallel_loop3A_138 = arith.mulf %parallel_loop3A_112, %parallel_loop3A_128 : vector<16xf32>
        %parallel_loop3A_139 = arith.addf %parallel_loop3A_137, %parallel_loop3A_138 : vector<16xf32>
        %parallel_loop3A_140 = arith.mulf %parallel_loop3A_117, %parallel_loop3A_132 : vector<16xf32>
        %parallel_loop3A_141 = arith.mulf %parallel_loop3A_122, %parallel_loop3A_136 : vector<16xf32>
        %parallel_loop3A_142 = arith.addf %parallel_loop3A_140, %parallel_loop3A_141 : vector<16xf32>
        %parallel_loop3A_143 = arith.addf %parallel_loop3A_139, %parallel_loop3A_142 : vector<16xf32>
        %parallel_loop3A_144 = arith.constant true
        %parallel_loop3A_145 = vector.broadcast %parallel_loop3A_144 : i1 to vector<16xi1>
        %parallel_loop3A_146 = tpu.scan <sum>, %parallel_loop3A_143 masked %parallel_loop3A_145 : vector<16xf32>, vector<16xi1> -> vector<16xf32>
        %parallel_loop3A_147 = arith.addi %mul3A_96, %parallel_loop3A_100 : i32
        %parallel_loop3A_148 = vector.broadcast %parallel_loop3A_147 : i32 to vector<16xi32>
        tpu.vector_store_idx %arg11[%parallel_loop3A_148], %parallel_loop3A_146 masked %eq3A_28 {add = true} : memref<2048xf32, #tpu.memory_space<vmem>>[vector<16xi32>], vector<16xf32>, vector<16xi1>
      } {sc.loop_unroll_factor = 4 : i64, sc.parallel_access}
    }
    %scan3A_32 = arith.constant 8 : i32
    %dma_start3A_33 = tpu.memref_slice %arg6[%mul3A_2] : memref<65536xf32, #tpu.memory_space<hbm>> -> memref<2048xf32, #tpu.memory_space<hbm>>
    %dma_start3A_34 = tpu.memref_slice %arg6[%mul3A_2] : memref<65536xf32, #tpu.memory_space<hbm>> -> memref<2048xf32, #tpu.memory_space<hbm>>
    tpu.enqueue_dma source(%arg11 : memref<2048xf32, #tpu.memory_space<vmem>>) target(%dma_start3A_34 : memref<2048xf32, #tpu.memory_space<hbm>>) target_semaphore(%arg12 : memref<!tpu.dma_semaphore, #tpu.memory_space<semaphore_mem>>)
    %dma_wait3A_35 = tpu.memref_slice %arg6[%mul3A_2] : memref<65536xf32, #tpu.memory_space<hbm>> -> memref<2048xf32, #tpu.memory_space<hbm>>
    %dma_wait3A_36 = tpu.memref_slice %arg6[%mul3A_2] : memref<65536xf32, #tpu.memory_space<hbm>> -> memref<2048xf32, #tpu.memory_space<hbm>>
    tpu.wait_dma2 semaphore(%arg12 : memref<!tpu.dma_semaphore, #tpu.memory_space<semaphore_mem>>) src(%arg11 : memref<2048xf32, #tpu.memory_space<vmem>>) dst(%dma_wait3A_36 : memref<2048xf32, #tpu.memory_space<hbm>>)
    return
  }
}

</mosaic_0001>

<sc_bundles>
// kernel: _spmv.3.cloned.1.call-start
scs
__scs_entry_jumppad:
0x0: {  	(pc) =	sbr.rel $0x88, $3  }
0x1: {  	(tag) =	ssettag $0x0;
	lr =	simm.s32 $0x1  }
0x2: {  	[smem:$0x3F9D] =	sst lr;
	_ =	strace $0xD0000000  }
0x3: {  	_ = 	snop  }
0x4: {  	_ = 	snop  }
0x5: {  	_ = 	snop  }
0x6: {  	_ = 	snop  }
0x7: {  	_ = 	snop  }
__scs_overlays_trampoline_lowered:
0x8: {  	[smem:$0x3FAC] =	sst s0  }
0x9: {  	[smem:$0x3FAD] =	sst s1  }
0xa: {  	[smem:$0x3FAE] =	sst s2  }
0xb: {  	[smem:$0x3FAF] =	sst s3  }
0xc: {  	[smem:$0x3FB0] =	sst s4  }
0xd: {  	[smem:$0x3FB1] =	sst s5  }
0xe: {  	[smem:$0x3FB2] =	sst s6  }
0xf: {  	[smem:$0x3FB3] =	sst s7  }
0x10: {  	[smem:$0x3FB4] =	sst s8  }
0x11: {  	[smem:$0x3FB5] =	sst s9;
	s0 =	simm.s32 @!p0 $0x0  }
0x12: {  	s1 =	sld [smem:$0x3F9B];
	s0 =	simm.s32 @p0 $0x1  }
0x13: {  	[smem:$0x3FB6] =	sst s0;
	s0 =	simm.s32 @!p1 $0x0  }
0x14: {  	s2 =	sld [smem:$0x3F9A];
	s0 =	simm.s32 @p1 $0x1  }
0x15: {  	[smem:$0x3FB7] =	sst s0;
	s0 =	simm.s32 @!p2 $0x0  }
0x16: {  	s3 =	sld [smem:$0x3FDB];
	s0 =	simm.s32 @p2 $0x1  }
0x17: {  	s4 =	simm.s32 $0x1BF5;
	[smem:$0x3FB9] =	sst s0  }
0x18: {  	s0 =	sld [smem:$0x3F9C];
	_ =	swait.ge [sflag:s4], $0x0  }
0x19: {  	s7 =	sld [smem:$0x3F9D]  }
0x1a: {  	s8 =	sadd.s32 $0xFFFFE003, lr  }
0x1b: {  	s9 =	sadd.s32 $0xFFFFFEF7, lr;
	s5 =	simm.s32 $0xFFFFFFFF;
	p2 =	slt.u32 s8, $0xFFFFF086  }
0x1c: {  	p1 =	slt.u32 s9, $0xF7A;
	s5 =	simm.s32 @!p2 $0x0  }
0x1d: {  	s5 =	simm.s32 @p1 $0x1;
	p0 =	seq.s32 s7, s2  }
0x1e: {  	s7 =	smul.u32 @!p0 $0xF7A, s2;
	p2 =	seq.s32 @!p0 s5, $0x0  }
0x1f: {  	s9 =	smul.u32 $0xF7A, s1;
	s8 =	simm.s32 @!p0 $0x1BF5;
	p2 =	por !p2, p0  }
0x20: {  	[sflag:s8] =	ssyncset.s32 @!p0 $0xFFFFF086;
	s6 =	sadd.s32 @!p0 s3, s7;
	s7 =	simm.s32 @!p0 $0x108  }
0x21: {  	s3 =	sadd.s32 s3, s9;
	s6 =	sadd.s32 @!p0 $0x88, s6;
	s7 =	simm.s32 @p2 $0x1082  }
0x22: {  	[simem:s7], [sflag:s8] =	dma.local @!p0 [hbm:s6], $0xF7A  }
0x23: {  	s9 =	sor.u32 $0xD0000000, s2;
	s6 =	simm.s32 $0x108;
	_ =	swait.ge @!p0 [sflag:s8], $0x0  }
0x24: {  	s3 =	sadd.s32 $0x88, s3;
	s6 =	simm.s32 @!p1 $0x1082;
	[sflag:s4] =	ssyncset.s32 $0xFFFFF086  }
0x25: {  	[simem:s6], [sflag:s4] =	dma.local [hbm:s3], $0xF7A  }
0x26: {  	[smem:$0x3F9D] =	sst s1;
	(tag) =	ssettag s2;
	_ =	strace s9  }
0x27: {  	s1 =	sld [smem:$0x3FAD]  }
0x28: {  	s2 =	sld [smem:$0x3FAE]  }
0x29: {  	s4 =	sld [smem:$0x3FB0]  }
0x2a: {  	p0 =	seq.s32 s5, $0x0;
	s5 =	sld [smem:$0x3FB1]  }
0x2b: {  	s6 =	sld [smem:$0x3FB2]  }
0x2c: {  	s7 =	sld [smem:$0x3FB3]  }
0x2d: {  	s3 =	simm.s32 $0x108;
	s8 =	sld [smem:$0x3FB4]  }
0x2e: {  	s3 =	simm.s32 @!p0 $0x1082;
	s9 =	sld [smem:$0x3FB5]  }
0x2f: {  	lr =	sadd.s32 s0, s3;
	s0 =	sld [smem:$0x3FAC]  }
0x30: {  	s3 =	sld [smem:$0x3FAF]  }
0x31: {  	[smem:$0x3FB8] =	sst s10  }
0x32: {  	s10 =	sld [smem:$0x3FB6];
	_ =	sdelay $0x3  }
0x33: {  	p0 =	seq.s32 s10, $0x1;
	s10 =	sld [smem:$0x3FB8];
	_ =	sdelay $0x3  }
0x34: {  	[smem:$0x3FB8] =	sst s10  }
0x35: {  	s10 =	sld [smem:$0x3FB7];
	_ =	sdelay $0x3  }
0x36: {  	p1 =	seq.s32 s10, $0x1;
	s10 =	sld [smem:$0x3FB8];
	_ =	sdelay $0x3  }
0x37: {  	[smem:$0x3FB8] =	sst s10  }
0x38: {  	s10 =	sld [smem:$0x3FB9]  }
0x39: {  	_ = 	snop;
	(pc) =	sbr.ind lr, $3  }
0x3a: {  	_ = 	snop  }
0x3b: {  	_ = 	snop  }
0x3c: {  	p2 =	seq.s32 s10, $0x1;
	s10 =	sld [smem:$0x3FB8]  }
0x3d: {  	_ =	shalt  }
0x3e: {  	_ =	shalt  }
0x3f: {  	_ =	shalt  }
0x40: {  	_ =	shalt  }
0x41: {  	_ =	shalt  }
0x42: {  	_ =	shalt  }
0x43: {  	_ =	shalt  }
0x44: {  	_ =	shalt  }
0x45: {  	_ =	shalt  }
0x46: {  	_ =	shalt  }
0x47: {  	_ =	shalt  }
0x48: {  	_ =	shalt  }
0x49: {  	_ =	shalt  }
0x4a: {  	_ =	shalt  }
0x4b: {  	_ =	shalt  }
0x4c: {  	_ =	shalt  }
0x4d: {  	_ =	shalt  }
0x4e: {  	_ =	shalt  }
0x4f: {  	_ =	shalt  }
0x50: {  	_ =	shalt  }
0x51: {  	_ =	shalt  }
0x52: {  	_ =	shalt  }
0x53: {  	_ =	shalt  }
0x54: {  	_ =	shalt  }
0x55: {  	_ =	shalt  }
0x56: {  	_ =	shalt  }
0x57: {  	_ =	shalt  }
0x58: {  	_ =	shalt  }
0x59: {  	_ =	shalt  }
0x5a: {  	_ =	shalt  }
0x5b: {  	_ =	shalt  }
0x5c: {  	_ =	shalt  }
0x5d: {  	_ =	shalt  }
0x5e: {  	_ =	shalt  }
0x5f: {  	_ =	shalt  }
0x60: {  	_ =	shalt  }
0x61: {  	_ =	shalt  }
0x62: {  	_ =	shalt  }
0x63: {  	_ =	shalt  }
0x64: {  	_ =	shalt  }
0x65: {  	_ =	shalt  }
0x66: {  	_ =	shalt  }
0x67: {  	_ =	shalt  }
0x68: {  	_ =	shalt  }
0x69: {  	_ =	shalt  }
0x6a: {  	_ =	shalt  }
0x6b: {  	_ =	shalt  }
0x6c: {  	_ =	shalt  }
0x6d: {  	_ =	shalt  }
0x6e: {  	_ =	shalt  }
0x6f: {  	_ =	shalt  }
0x70: {  	_ =	shalt  }
0x71: {  	_ =	shalt  }
0x72: {  	_ =	shalt  }
0x73: {  	_ =	shalt  }
0x74: {  	_ =	shalt  }
0x75: {  	_ =	shalt  }
0x76: {  	_ =	shalt  }
0x77: {  	_ =	shalt  }
0x78: {  	_ =	shalt  }
0x79: {  	_ =	shalt  }
0x7a: {  	_ =	shalt  }
0x7b: {  	_ =	shalt  }
0x7c: {  	_ =	shalt  }
0x7d: {  	_ =	shalt  }
0x7e: {  	_ =	shalt  }
0x7f: {  	_ =	shalt  }
0x80: {  	_ =	shalt  }
0x81: {  	_ =	shalt  }
0x82: {  	_ =	shalt  }
0x83: {  	_ =	shalt  }
0x84: {  	_ =	shalt  }
0x85: {  	_ =	shalt  }
0x86: {  	_ =	shalt  }
0x87: {  	_ =	shalt  }
.Lfunc_end0:
.L_simem_size_0:
called_computation_lowered:
.L_overlay_start_0:
0x88: {  	s2 =	sld [smem:$0x3FD9]  }
0x89: {  	s3 =	sld [smem:$0x3FFE];
	_ =	sdelay $0x1  }
0x8a: {  	s1 =	srdreg.scid  }
0x8b: {  	s0 =	sand.u32 $0x1, s1  }
0x8c: {  	s18 =	sshll.u32 s0, $0xA;
	s2 =	sadd.s32 s3, s2  }
0x8d: {  	s2 =	sadd.s32 s2, s18  }
0x8e: {  	[smem:$0x3FC4] =	sst s2  }
0x8f: {  	_ = 	snop  }
0x90: {  	s2 =	sld [smem:$0x3FC9]  }
0x91: {  	s19 =	sld [smem:$0x3FC8]  }
0x92: {  	s4 =	sld [smem:$0x3FC7]  }
0x93: {  	s5 =	sld [smem:$0x3FC6]  }
0x94: {  	s6 =	sld [smem:$0x3FD0];
	(tm) =	ssettm $0x1  }
0x95: {  	s7 =	sld [smem:$0x3FFB];
	_ =	sdelay $0x3  }
0x96: {  	_ =	strace s7  }
0x97: {  	s7 =	sld [smem:$0x3FFC];
	_ =	sdelay $0x3  }
0x98: {  	_ =	strace s7  }
0x99: {  	s7 =	sld [smem:$0x3FFD];
	_ =	sdelay $0x3  }
0x9a: {  	_ =	strace s7  }
0x9b: {  	_ =	strace $0x8FFFFFFF  }
0x9c: {  	s20 =	sld [smem:$0x3FDB];
	_ =	sdelay $0x1  }
0x9d: {  	s8 =	simm.s32 $_scs_section_size  }
0x9e: {  	s9 =	simm.s32 $_size__tile_overlayer_lowered;
	s10 =	simm.s32 $_tile_overlayer_lowered  }
0x9f: {  	s23 =	simm.s32 $0x1BFF;
	s22 =	sshll.u32 s10, $0x1;
	s7 =	sadd.s32 s8, s20  }
0xa0: {  	s11 =	simm.s32 $0x0;
	s21 =	sshll.u32 s9, $0x1;
	s9 =	sadd.s32 s22, s7  }
0xa1: {  	[timem:s11], [sflag:s23] =	dma.local [hbm:s9], s21  }
0xa2: {  	_ =	swait.ge [sflag:s23], s21  }
0xa3: {  	s8 =	ssub.s32 $0x0, s21;
	[sflag:s23] =	ssyncset.done $0x0  }
0xa4: {  	[sflag:s23] =	ssyncadd.s32 s8;
	_ =	sdelay $0x1  }
0xa5: {  	s24 =	simm.s32 $0x1B8B  }
0xa6: {  	_ =	swait.ge [sflag:s24], $0x1  }
0xa7: {  	[sflag:s24] =	ssyncset.done $0x0  }
0xa8: {  	s25 =	simm.s32 $0x1B8E;
	[sflag:s24] =	ssyncadd.s32 $0xFFFFFFFF  }
0xa9: {  	s26 =	simm.s32 $execute0_lowered;
	[smem:$0x3FD2] =	sst s25  }
0xaa: {  	s8 =	sshll.u32 s26, $0x1;
	_ =	strace $0x80000046;
	[dreg:$0x1] =	wrdreg $0xFFFFFFFF  }
0xab: {  	s28 =	simm.s32 $_size_execute0_lowered;
	s7 =	sadd.s32 s7, s8;
	[dreg:$0x0] =	wrdreg $0x0  }
0xac: {  	s8 =	sshll.u32 s28, $0x1;
	[dreg:$0x2] =	wrdreg s7  }
0xad: {  	[dreg:$0x3] =	wrdreg s8  }
0xae: {  	[dreg:$0x4] =	wrdreg $0xC0  }
0xaf: {  	_ =	task [dreg:s11], $0x5FFFF  }
0xb0: {  	[dreg:$0x1] =	wrdreg $0xFFFFFFFF  }
0xb1: {  	[dreg:$0x0] =	wrdreg $0x60  }
0xb2: {  	[dreg:$0x2] =	wrdreg s2  }
0xb3: {  	[dreg:$0x3] =	wrdreg s19  }
0xb4: {  	[dreg:$0x4] =	wrdreg s4  }
0xb5: {  	[dreg:$0x5] =	wrdreg s5  }
0xb6: {  	[dreg:$0x6] =	wrdreg s6  }
0xb7: {  	[dreg:$0x7] =	wrdreg $0x0  }
0xb8: {  	[dreg:$0x8] =	wrdreg $0x9  }
0xb9: {  	_ =	task.clear_ibuf [dreg:s11], $0x9FFFF;
	_ =	strace $0x90000046  }
0xba: {  	s29 =	simm.s32 $0x9;
	_ =	strace $0x80000048  }
0xbb: {  	_ =	swait.ge [sflag:s29], $0x1  }
0xbc: {  	[sflag:s29] =	ssyncadd.s32 $0xFFFFFFFF  }
0xbd: {  	_ =	strace $0x90000048  }
0xbe: {  	_ =	sfence  }
0xbf: {  	s30 =	sld [smem:$0x0];
	_ =	sdelay $0x2  }
0xc0: {  	s31 =	sshll.u32 s1, $0xD;
	s1 =	sshrl.u32 s1, $0x2  }
0xc1: {  	s3 =	sand.u32 $0x4000, s31;
	s1 =	sadd.s32 s1, s30  }
0xc2: {  	s0 =	sor.u32 s3, s0;
	s1 =	sshll.u32 s1, $0x11  }
0xc3: {  	s0 =	sor.u32 s1, s0  }
0xc4: {  	s0 =	sadd.s32 $0x8F2B, s0  }
0xc5: {  	[sflag:s0] =	ssyncadd.remote.s32 $0x1  }
0xc6: {  	_ =	sfence.sel $0xFFFF  }
0xc7: {  	[dreg:$0x0] =	wrdreg $0xFFFFFFFF;
	(pc) =	sbr.abs _section_cstart, $3  }
0xc8: {  	[dreg:$0x1] =	wrdreg $0xFFFFFFFF  }
0xc9: {  	_ =	task.clear_ibuf [dreg:s11], $0x2FFFF;
	_ =	strace $0x9FFFFFFF  }
0xca: {  	(tm) =	ssettm $0x7FFFFFFF  }
0xcb: {  	_ =	shalt  }
tec
execute0_lowered:
.L_overlay_start_1:
0x0: {  	(tag) =	ssettag $0x1  }
0x1: {  	s0 =	rddreg [dreg:$0x0]  }
0x2: {  	s1 =	rddreg [dreg:$0x1]  }
0x3: {  	s2 =	rddreg [dreg:$0x2]  }
0x4: {  	s3 =	rddreg [dreg:$0x3]  }
0x5: {  	s4 =	rddreg [dreg:$0x4]  }
0x6: {  	s11 =	rddreg [dreg:$0x5]  }
0x7: {  	s5 =	simm.s32 $0x0;
	s6 =	srdreg.scid;
	s10 =	stileid.u32  }
0x8: {  	s15 =	simm.s32 $0x19000;
	s17 =	simm.s32 $0x1;
	s20 =	simm.s32 $0x1000  }
0x9: {  	s21 =	simm.s32 $0x13000;
	s22 =	simm.s32 $0x17000;
	s23 =	simm.s32 $0x2  }
0xa: {  	[smem:$0x7FF] =	sst s5;
	s6 =	sand.u32 $0x1, s6;
	s7 =	sshll.u32 s10, $0x1  }
0xb: {  	s9 =	sshll.u32 s10, $0xC;
	s26 =	sshll.u32 s10, $0x9;
	s28 =	sshll.u32 s10, $0x6  }
0xc: {  	_ =	strace $0x80000047;
	s8 =	ssub.s32 $0x2, s6;
	s6 =	sor.u32 s6, s7  }
0xd: {  	s25 =	sadd.s32 s9, s11;
	s0 =	sadd.s32 s0, s26;
	s29 =	sor.u32 $0x1C01, s28  }
0xe: {  	vm0 =	vcmask $0x3F3C;
	s24 =	sshrl.u32 s8, $0x1;
	s13 =	sshll.u32 s6, $0x8;
	[dreg:$0x8] =	wrdreg s0  }
0xf: {  	s7 =	sshll.u32 s6, $0xE;
	[dreg:$0x9] =	wrdreg s29;
	s16 =	sshrl.u32 s25, $0x3  }
0x10: {  	s25 =	simm.s32 $0x0;
	s14 =	ssub.s32 s8, s24;
	s3 =	sadd.s32 s3, s13  }
0x11: {  	s30 =	sadd.s32 s1, s7;
	s31 =	sadd.s32 s2, s7;
	[dreg:$0x7] =	wrdreg s3  }
0x12: {  	s12 =	sor.u32 $0x800, s7;
	s13 =	sadd.s32 s4, s13;
	[dreg:$0xa] =	wrdreg s30  }
0x13: {  	s24 =	simm.s32 $0x3;
	[dreg:$0xb] =	wrdreg s31;
	s14 =	smax.u32 s14, $0x1  }
.LBB2_1:
0x14: {  	s0 =	rddreg [dreg:$0x7]  }
0x15: {  	s18 =	rddreg [dreg:$0x8]  }
0x16: {  	s3 =	rddreg [dreg:$0x9]  }
0x17: {  	[tilespmem:s15], [sflag:$0x1] =	stream.linear.gather [hbm4b:s0+s5], $0x800, $0x38;
	[tilespmem:$0x19800] =	vst v63  }
0x18: {  	[spmem:s16], [sflag:s3] =	dma.local [hbm:s18], $0x200  }
0x19: {  	_ =	swait.ge [sflag:s17], $0x200  }
0x1a: {  	[sflag:s17] =	ssyncset.done $0x0  }
0x1b: {  	s26 =	simm.s32 $0x11000;
	s19 =	rddreg [dreg:$0xa];
	[sflag:s17] =	ssyncadd.s32 $0xFFFFFE00  }
0x1c: {  	[tilespmem:s26], [sflag:$0x2] =	stream.linear.gather [hbm4b:s19+s5], $0x2000, $0x38;
	[tilespmem:$0x19800] =	vst v63  }
0x1d: {  	s30 =	simm.s32 $0x15000;
	s29 =	rddreg [dreg:$0xb]  }
0x1e: {  	[tilespmem:s30], [sflag:$0x2] =	stream.linear.gather [hbm4b:s29+s5], $0x2000, $0x38;
	[tilespmem:$0x19800] =	vst v63  }
0x1f: {  	[bflag:$0x0] =	sbarrier.arrive $0xFFFF  }
0x20: {  	s31 =	rddreg [dreg:$0x5]  }
0x21: {  	[tilespmem:s20], [sflag:$0x1] =	stream.linear.gather [spmem:s31], $0x10000, $0x38;
	[tilespmem:$0x19800] =	vst v63  }
0x22: {  	_ =	swait.ge [sflag:s17], $0x800  }
0x23: {  	[sflag:s17] =	ssyncset.done $0x0  }
0x24: {  	[sflag:s17] =	ssyncadd.s32 $0xFFFFF800  }
0x25: {  	_ =	swait.ge [sflag:s17], $0x10000  }
0x26: {  	[sflag:s17] =	ssyncset.done $0x0  }
0x27: {  	s28 =	simm.s32 $0x0;
	s26 =	simm.s32 $0x0;
	[sflag:s17] =	ssyncadd.s32 $0xFFFF0000  }
.LBB2_2:
0x28: {  	s0 =	sshll.u32 s28, $0xB  }
0x29: {  	s0 =	sadd.s32 s0, s7  }
0x2a: {  	s0 =	sadd.s32 $0x400, s0  }
0x2b: {  	s3 =	sadd.s32 s1, s0  }
0x2c: {  	[tilespmem:s21], [sflag:$0x3] =	stream.linear.gather [hbm4b:s3+s5], $0x2000, $0x38;
	[tilespmem:$0x19800] =	vst v63  }
0x2d: {  	s0 =	sadd.s32 s2, s0  }
0x2e: {  	[tilespmem:s22], [sflag:$0x3] =	stream.linear.gather [hbm4b:s0+s5], $0x2000, $0x38;
	[tilespmem:$0x19800] =	vst v63  }
0x2f: {  	_ =	swait.ge [sflag:s23], $0x2000  }
0x30: {  	[sflag:s23] =	ssyncset.done $0x0  }
0x31: {  	[sflag:s23] =	ssyncadd.s32 $0xFFFFE000  }
0x32: {  	_ =	swait.ge [sflag:s23], $0x2000  }
0x33: {  	[sflag:s23] =	ssyncset.done $0x0  }
0x34: {  	s19 =	simm.s32 $0x40;
	s0 =	simm.s32 $0x11080;
	[sflag:s23] =	ssyncadd.s32 $0xFFFFE000  }
0x35: {  	s4 =	sor.u32 $0x50, s19;
	v0 =	vld [tilespmem:s0+$0xFFFFFFC0]  }
0x36: {  	s6 =	sor.u32 $0x60, s19;
	v1 =	vld [tilespmem:s4+$0x11000]  }
0x37: {  	s18 =	sor.u32 $0x70, s19;
	v2 =	vld [tilespmem:s6+$0x11000]  }
0x38: {  	v3 =	vld [tilespmem:s18+$0x11000]  }
0x39: {  	s8 =	simm.s32 $0x15080;
	v4 =	vld [tilespmem:s0+$0xFFFFFF90]  }
0x3a: {  	v5 =	vld [tilespmem:s8+$0xFFFFFFC0]  }
0x3b: {  	v6 =	vld [tilespmem:s4+$0x15000]  }
0x3c: {  	v7 =	vld [tilespmem:s6+$0x15000]  }
0x3d: {  	v8 =	vld [tilespmem:s18+$0x15000]  }
0x3e: {  	v9 =	vld [tilespmem:s0+$0xFFFFFFA0]  }
0x3f: {  	v10 =	vld [tilespmem:s0+$0xFFFFFFB0]  }
0x40: {  	v11 =	vld [tilespmem:s0+$0x0]  }
0x41: {  	v12 =	vld [tilespmem:s0+$0x40]  }
0x42: {  	v13 =	vld [tilespmem:s8+$0xFFFFFF80]  }
0x43: {  	v14 =	vld [tilespmem:s8+$0xFFFFFF90]  }
0x44: {  	v16 =	vld [tilespmem:s8+$0x0]  }
0x45: {  	v17 =	vld [tilespmem:s8+$0x10]  }
0x46: {  	s9 =	simm.s32 $0xC0;
	v18 =	vld [tilespmem:s8+$0x20]  }
0x47: {  	s10 =	sor.u32 $0x50, s9;
	v19 =	vld [tilespmem:s8+$0x30]  }
0x48: {  	s11 =	sor.u32 $0x60, s9;
	v20 =	vld [tilespmem:s10+$0x15000]  }
0x49: {  	v21 =	vld [tilespmem:s11+$0x15000]  }
0x4a: {  	s29 =	simm.s32 $0x11180;
	v23 =	vld [tilespmem:s8+$0x40]  }
0x4b: {  	v24 =	vld [tilespmem:s29+$0xFFFFFFC0]  }
0x4c: {  	s30 =	simm.s32 $0x15180;
	v28 =	vld [tilespmem:s29+$0xFFFFFF90]  }
0x4d: {  	v29 =	vld [tilespmem:s30+$0xFFFFFFC0]  }
0x4e: {  	v51 =	vld [tilespmem:s30+$0xFFFFFF80]  }
0x4f: {  	v52 =	vld [tilespmem:s30+$0xFFFFFF90]  }
0x50: {  	v0 =	vld.idx.msk [tilespmem:v0+s20+$0x0], $0xffff  }
0x51: {  	v1 =	vld.idx.msk [tilespmem:v1+s20+$0x0], $0xffff  }
0x52: {  	v2 =	vld.idx.msk [tilespmem:v2+s20+$0x0], $0xffff  }
0x53: {  	s4 =	sor.u32 $0x70, s9;
	s6 =	simm.s32 $0x140;
	v3 =	vld.idx.msk [tilespmem:v3+s20+$0x0], $0xffff  }
0x54: {  	v22 =	vld [tilespmem:s4+$0x15000];
	s9 =	sor.u32 $0x60, s6  }
0x55: {  	s3 =	sor.u32 $0x70, s6;
	v26 =	vld [tilespmem:s9+$0x11000]  }
0x56: {  	v27 =	vld [tilespmem:s3+$0x11000]  }
0x57: {  	v31 =	vld [tilespmem:s9+$0x15000];
	v0 =	vmul.f32 v5, v0;
	v1 =	vmul.f32 v6, v1  }
0x58: {  	v11 =	vld.idx.msk [tilespmem:v11+s20+$0x0], $0xffff;
	v2 =	vmul.f32 v7, v2;
	v3 =	vmul.f32 v8, v3  }
0x59: {  	v12 =	vld.idx.msk [tilespmem:v12+s20+$0x0], $0xffff  }
0x5a: {  	v24 =	vld.idx.msk [tilespmem:v24+s20+$0x0], $0xffff;
	v0 =	vadd.f32 v1, v0;
	v1 =	vadd.f32 v3, v2  }
0x5b: {  	v5 =	vld [tilespmem:s0+$0x10]  }
0x5c: {  	v6 =	vld [tilespmem:s0+$0x20];
	v0 =	vadd.f32 v1, v0  }
0x5d: {  	v8 =	vld [tilespmem:s0+$0xFFFFFF80]  }
0x5e: {  	v7 =	vld [tilespmem:s0+$0x30];
	(xrf2) =	vadd.scan.msk.f32 $0xffff, v0  }
0x5f: {  	s0 =	sadd.s32 $0xFFFFFFFC, s26;
	v0 =	vld.idx.msk [tilespmem:v4+s20+$0x0], $0xffff  }
0x60: {  	s19 =	sadd.s32 $0x5, s0;
	v4 =	vld.idx.msk [tilespmem:v9+s20+$0x0], $0xffff  }
0x61: {  	v9 =	vld.idx.msk [tilespmem:v10+s20+$0x0], $0xffff;
	v10 =	vmov s19  }
0x62: {  	v2 =	vld [tilespmem:s10+$0x11000];
	v10 =	vand.u32 $0xFFFFFFFD, v10  }
0x63: {  	v3 =	vld [tilespmem:s4+$0x11000];
	v10 =	vbroadcast v10, $0x0  }
0x64: {  	v1 =	vld [tilespmem:s11+$0x11000]  }
0x65: {  	v8 =	vld.idx.msk [tilespmem:v8+s20+$0x0], $0xffff  }
0x66: {  	v5 =	vld.idx.msk [tilespmem:v5+s20+$0x0], $0xffff  }
0x67: {  	v6 =	vld.idx.msk [tilespmem:v6+s20+$0x0], $0xffff  }
0x68: {  	v7 =	vld.idx.msk [tilespmem:v7+s20+$0x0], $0xffff;
	v15, _, _ =	vpop (xrf2)  }
0x69: {  	[tilespmem:v10+s15+$0x0] =	vst.idx.add.f32.msk vm0, v15  }
0x6a: {  	v10 =	vld [tilespmem:s8+$0xFFFFFFA0]  }
0x6b: {  	v15 =	vld [tilespmem:s8+$0xFFFFFFB0];
	s8 =	sor.u32 $0x50, s6  }
0x6c: {  	v25 =	vld [tilespmem:s8+$0x11000]  }
0x6d: {  	v2 =	vld.idx.msk [tilespmem:v2+s20+$0x0], $0xffff  }
0x6e: {  	v3 =	vld.idx.msk [tilespmem:v3+s20+$0x0], $0xffff  }
0x6f: {  	v0 =	vmul.f32 v14, v0;
	v1 =	vld.idx.msk [tilespmem:v1+s20+$0x0], $0xffff;
	v8 =	vmul.f32 v13, v8  }
0x70: {  	v13 =	vld.idx.msk [tilespmem:v26+s20+$0x0], $0xffff  }
0x71: {  	v0 =	vadd.f32 v0, v8;
	v8 =	vmul.f32 v16, v11;
	v11 =	vld [tilespmem:s3+$0x15000]  }
0x72: {  	v5 =	vmul.f32 v17, v5;
	v6 =	vmul.f32 v18, v6;
	v30 =	vld [tilespmem:s8+$0x15000]  }
0x73: {  	v7 =	vmul.f32 v19, v7;
	v4 =	vmul.f32 v10, v4;
	v10 =	vld.idx.msk [tilespmem:v27+s20+$0x0], $0xffff  }
0x74: {  	v9 =	vmul.f32 v15, v9;
	v25 =	vld.idx.msk [tilespmem:v25+s20+$0x0], $0xffff  }
0x75: {  	v54 =	vld [tilespmem:s30+$0xFFFFFFB0];
	v6 =	vadd.f32 v7, v6;
	v5 =	vadd.f32 v5, v8  }
0x76: {  	v55 =	vld [tilespmem:s30+$0x0];
	v2 =	vmul.f32 v20, v2;
	v3 =	vmul.f32 v22, v3;
	v4 =	vadd.f32 v9, v4  }
0x77: {  	v56 =	vld [tilespmem:s30+$0x10];
	v7 =	vmul.f32 v23, v12;
	v1 =	vmul.f32 v21, v1;
	v5 =	vadd.f32 v6, v5  }
0x78: {  	v8 =	vld [tilespmem:s29+$0xFFFFFFB0];
	v6 =	vmul.f32 v31, v13;
	v0 =	vadd.f32 v4, v0;
	v4 =	vmul.f32 v29, v24  }
0x79: {  	v2 =	vadd.f32 v2, v7;
	v7 =	vld [tilespmem:s29+$0xFFFFFF80];
	v10 =	vmul.f32 v11, v10;
	v14 =	vmul.f32 v30, v25  }
0x7a: {  	v58 =	vld [tilespmem:s30+$0x20];
	v1 =	vadd.f32 v3, v1  }
0x7b: {  	v59 =	vld [tilespmem:s30+$0x30];
	v6 =	vadd.f32 v10, v6;
	v4 =	vadd.f32 v14, v4  }
0x7c: {  	v12 =	vld [tilespmem:s29+$0x0];
	(xrf2) =	vadd.scan.msk.f32 $0xffff, v0;
	v0 =	vadd.f32 v1, v2  }
0x7d: {  	v3 =	vld [tilespmem:s29+$0x30];
	(xrf2) =	vadd.scan.msk.f32 $0xffff, v5;
	v1 =	vadd.f32 v6, v4  }
0x7e: {  	v15 =	vld [tilespmem:s29+$0x10];
	(xrf2) =	vadd.scan.msk.f32 $0xffff, v0  }
0x7f: {  	v9 =	vld [tilespmem:s29+$0xFFFFFFA0];
	(xrf2) =	vadd.scan.msk.f32 $0xffff, v1  }
0x80: {  	s6 =	sadd.s32 $0x0, s26;
	v8 =	vld.idx.msk [tilespmem:v8+s20+$0x0], $0xffff  }
0x81: {  	s10 =	simm.s32 $0x1C0;
	s11 =	sadd.s32 $0x5, s6;
	v7 =	vld.idx.msk [tilespmem:v7+s20+$0x0], $0xffff  }
0x82: {  	s3 =	sor.u32 $0x50, s10;
	v11 =	vld [tilespmem:s29+$0x20];
	v1 =	vmov s11  }
0x83: {  	v2 =	vld [tilespmem:s3+$0x11000];
	v1 =	vand.u32 $0xFFFFFFFD, v1  }
0x84: {  	s18 =	sor.u32 $0x70, s10;
	v5 =	vld [tilespmem:s29+$0x40];
	v10 =	vbroadcast v1, $0x0  }
0x85: {  	v0 =	vld [tilespmem:s18+$0x11000]  }
0x86: {  	v13 =	vld.idx.msk [tilespmem:v15+s20+$0x0], $0xffff;
	v14, _, _ =	vpop (xrf2)  }
0x87: {  	s4 =	sor.u32 $0x60, s10;
	v9 =	vld.idx.msk [tilespmem:v9+s20+$0x0], $0xffff;
	v1, _, _ =	vpop (xrf2)  }
0x88: {  	v4 =	vld [tilespmem:s4+$0x11000];
	v15, _, _ =	vpop (xrf2)  }
0x89: {  	v6 =	vld.idx.msk [tilespmem:v28+s20+$0x0], $0xffff;
	v53, _, _ =	vpop (xrf2)  }
0x8a: {  	[tilespmem:v10+s15+$0x0] =	vst.idx.add.f32.msk vm0, v53  }
0x8b: {  	v10 =	vld [tilespmem:s30+$0xFFFFFFA0]  }
0x8c: {  	v12 =	vld.idx.msk [tilespmem:v12+s20+$0x0], $0xffff  }
0x8d: {  	s8 =	sadd.s32 $0x4, s0;
	v3 =	vld.idx.msk [tilespmem:v3+s20+$0x0], $0xffff  }
0x8e: {  	v57 =	vmov s8;
	v11 =	vld.idx.msk [tilespmem:v11+s20+$0x0], $0xffff  }
0x8f: {  	s9 =	sadd.s32 $0x6, s0;
	v21 =	vand.u32 $0xFFFFFFFC, v57;
	v16 =	vmul.f32 v51, v7;
	v60 =	vld.idx.msk [tilespmem:v2+s20+$0x0], $0xffff;
	v17 =	vmul.f32 v52, v6  }
0x90: {  	v2 =	vmov s9;
	v7 =	vld.idx.msk [tilespmem:v4+s20+$0x0], $0xffff;
	v4 =	vmul.f32 v10, v9;
	v9 =	vmul.f32 v54, v8  }
0x91: {  	v21 =	vbroadcast v21, $0x0;
	v2 =	vand.u32 $0xFFFFFFFE, v2  }
0x92: {  	s0 =	sadd.s32 $0x7, s0;
	v6 =	vld.idx.msk [tilespmem:v0+s20+$0x0], $0xffff;
	v0 =	vbroadcast v2, $0x0;
	v2 =	vadd.f32 v17, v16;
	v4 =	vadd.f32 v9, v4  }
0x93: {  	v61 =	vmov s0;
	v3 =	vmul.f32 v59, v3;
	v8 =	vld.idx.msk [tilespmem:v5+s20+$0x0], $0xffff;
	v5 =	vmul.f32 v55, v12  }
0x94: {  	s10 =	sadd.s32 $0x4, s6;
	s11 =	sadd.s32 $0x6, s6;
	v10 =	vmul.f32 v56, v13;
	v12 =	vld [tilespmem:s3+$0x15000];
	v13 =	vmul.f32 v58, v11;
	v4 =	vadd.f32 v4, v2  }
0x95: {  	v62 =	vmov s11;
	v11 =	vld [tilespmem:s4+$0x15000];
	v9 =	vmov s10  }
0x96: {  	v19 =	vadd.f32 v10, v5;
	v13 =	vadd.f32 v3, v13;
	v63 =	vand.u32 $0xFFFFFFFC, v9;
	v9 =	vld [tilespmem:s18+$0x15000];
	(xrf2) =	vadd.scan.msk.f32 $0xffff, v4  }
0x97: {  	v16 =	vand.u32 $0xFFFFFFFE, v62;
	v10 =	vld [tilespmem:s30+$0x40]  }
0x98: {  	s19 =	sadd.s32 $0x7, s6;
	[tilespmem:v21+s15+$0x0] =	vst.idx.add.f32.msk vm0, v14;
	v5 =	vbroadcast v16, $0x0;
	v13 =	vadd.f32 v13, v19  }
0x99: {  	s31 =	simm.s32 $0x4;
	s0 =	simm.s32 $0x2C0;
	[tilespmem:v61+s15+$0x0] =	vst.idx.add.f32.msk vm0, v15;
	v3 =	vmov s19;
	v2 =	vbroadcast v63, $0x0;
	v12 =	vmul.f32 v12, v60  }
.LBB2_3:
0x9a: {  	s6 =	sadd.s32 $0xFFFFFF80, s0;
	s3 =	sor.u32 $0x50, s0;
	v4 =	vmul.f32 v11, v7;
	s29 =	sadd.s32 $0x100, s29;
	(xrf2) =	vadd.scan.msk.f32 $0xffff, v13;
	[tilespmem:v0+s15+$0x0] =	vst.idx.add.f32.msk vm0, v1;
	v0 =	vmov v5  }
0x9b: {  	s18 =	sor.u32 $0x60, s0;
	s4 =	sor.u32 $0x70, s0;
	v1 =	vld [tilespmem:s29+$0xFFFFFFC0];
	s8 =	sor.u32 $0x50, s6;
	v5 =	vmul.f32 v9, v6  }
0x9c: {  	s19 =	smov.u32 s31;
	s31 =	sadd.s32 $0x4, s31;
	s9 =	sor.u32 $0x60, s6;
	v6 =	vld [tilespmem:s8+$0x11000];
	v7 =	vmul.f32 v10, v8  }
0x9d: {  	s6 =	sor.u32 $0x70, s6;
	p0 =	slt.u32 s31, $0x7C;
	v8 =	vld [tilespmem:s9+$0x11000];
	v11 =	vadd.f32 v5, v4  }
0x9e: {  	v5 =	vld [tilespmem:s6+$0x11000];
	v7 =	vadd.f32 v12, v7  }
0x9f: {  	s30 =	sadd.s32 $0x100, s30;
	v9 =	vld [tilespmem:s29+$0xFFFFFF90]  }
0xa0: {  	v10 =	vld [tilespmem:s30+$0xFFFFFFC0];
	v7 =	vadd.f32 v11, v7;
	v4, _, _ =	vpop (xrf2)  }
0xa1: {  	v11 =	vld [tilespmem:s8+$0x15000]  }
0xa2: {  	v12 =	vld [tilespmem:s9+$0x15000];
	(xrf2) =	vadd.scan.msk.f32 $0xffff, v7  }
0xa3: {  	v7 =	vld.idx.msk [tilespmem:v1+s20+$0x0], $0xffff  }
0xa4: {  	v6 =	vld.idx.msk [tilespmem:v6+s20+$0x0], $0xffff;
	v1, _, _ =	vpop (xrf2)  }
0xa5: {  	v8 =	vld.idx.msk [tilespmem:v8+s20+$0x0], $0xffff  }
0xa6: {  	v5 =	vld.idx.msk [tilespmem:v5+s20+$0x0], $0xffff  }
0xa7: {  	v13 =	vld [tilespmem:s6+$0x15000]  }
0xa8: {  	v14 =	vld [tilespmem:s29+$0xFFFFFFA0]  }
0xa9: {  	v15 =	vld [tilespmem:s29+$0xFFFFFFB0]  }
0xaa: {  	v16 =	vld [tilespmem:s29+$0x0]  }
0xab: {  	v7 =	vmul.f32 v10, v7;
	v6 =	vmul.f32 v11, v6;
	v10 =	vld [tilespmem:s29+$0x10]  }
0xac: {  	v8 =	vmul.f32 v12, v8;
	v5 =	vmul.f32 v13, v5;
	v11 =	vld [tilespmem:s29+$0x20];
	v12, _, _ =	vpop (xrf2)  }
0xad: {  	v13 =	vld [tilespmem:s29+$0x30]  }
0xae: {  	v6 =	vadd.f32 v6, v7;
	v17 =	vld [tilespmem:s29+$0xFFFFFF80];
	v5 =	vadd.f32 v5, v8  }
0xaf: {  	v7 =	vld [tilespmem:s3+$0x11000]  }
0xb0: {  	v5 =	vadd.f32 v5, v6;
	v6 =	vld [tilespmem:s18+$0x11000]  }
0xb1: {  	v8 =	vld [tilespmem:s4+$0x11000]  }
0xb2: {  	v18 =	vld [tilespmem:s29+$0x40];
	(xrf2) =	vadd.scan.msk.f32 $0xffff, v5  }
0xb3: {  	s6 =	sadd.s32 s19, s26;
	v9 =	vld.idx.msk [tilespmem:v9+s20+$0x0], $0xffff  }
0xb4: {  	s8 =	sadd.s32 $0x4, s6;
	s9 =	sadd.s32 $0x5, s6;
	s19 =	sadd.s32 $0x6, s6;
	v14 =	vld.idx.msk [tilespmem:v14+s20+$0x0], $0xffff  }
0xb5: {  	s6 =	sadd.s32 $0x7, s6;
	v19 =	vmov s9;
	v20 =	vmov s19;
	v5 =	vmov s8;
	v15 =	vld.idx.msk [tilespmem:v15+s20+$0x0], $0xffff  }
0xb6: {  	v19 =	vand.u32 $0xFFFFFFFD, v19;
	v20 =	vand.u32 $0xFFFFFFFE, v20;
	v5 =	vand.u32 $0xFFFFFFFC, v5;
	v17 =	vld.idx.msk [tilespmem:v17+s20+$0x0], $0xffff  }
0xb7: {  	v22 =	vmov s6;
	v19 =	vbroadcast v19, $0x0;
	v21 =	vbroadcast v5, $0x0;
	v16 =	vld.idx.msk [tilespmem:v16+s20+$0x0], $0xffff  }
0xb8: {  	v5 =	vbroadcast v20, $0x0;
	v10 =	vld.idx.msk [tilespmem:v10+s20+$0x0], $0xffff  }
0xb9: {  	v11 =	vld.idx.msk [tilespmem:v11+s20+$0x0], $0xffff  }
0xba: {  	v13 =	vld.idx.msk [tilespmem:v13+s20+$0x0], $0xffff  }
0xbb: {  	v20 =	vld [tilespmem:s30+$0xFFFFFF80]  }
0xbc: {  	v23 =	vld [tilespmem:s30+$0xFFFFFF90];
	v24, _, _ =	vpop (xrf2)  }
0xbd: {  	[tilespmem:v19+s15+$0x0] =	vst.idx.add.f32.msk vm0, v24  }
0xbe: {  	v19 =	vld [tilespmem:s30+$0xFFFFFFA0]  }
0xbf: {  	v24 =	vld [tilespmem:s30+$0xFFFFFFB0]  }
0xc0: {  	v17 =	vmul.f32 v20, v17;
	v20 =	vld [tilespmem:s30+$0x0]  }
0xc1: {  	v9 =	vmul.f32 v23, v9;
	v23 =	vld [tilespmem:s30+$0x10]  }
0xc2: {  	v25 =	vld [tilespmem:s30+$0x20]  }
0xc3: {  	v9 =	vadd.f32 v9, v17;
	v14 =	vmul.f32 v19, v14;
	v17 =	vld [tilespmem:s30+$0x30]  }
0xc4: {  	v15 =	vmul.f32 v24, v15;
	v19 =	vld.idx.msk [tilespmem:v7+s20+$0x0], $0xffff  }
0xc5: {  	v16 =	vmul.f32 v20, v16;
	v7 =	vld.idx.msk [tilespmem:v6+s20+$0x0], $0xffff  }
0xc6: {  	v14 =	vadd.f32 v15, v14;
	v10 =	vmul.f32 v23, v10;
	v6 =	vld.idx.msk [tilespmem:v8+s20+$0x0], $0xffff  }
0xc7: {  	v15 =	vmul.f32 v25, v11;
	v8 =	vld.idx.msk [tilespmem:v18+s20+$0x0], $0xffff  }
0xc8: {  	v14 =	vadd.f32 v14, v9;
	v16 =	vadd.f32 v10, v16;
	v9 =	vmul.f32 v17, v13;
	v17 =	vld [tilespmem:s3+$0x15000]  }
.Ltmp0:
0xc9: {  	v11 =	vld [tilespmem:s18+$0x15000];
	(pc) =	sbr.rel @p0 .LBB2_3-.Ltmp0, $4  }
0xca: {  	v13 =	vadd.f32 v9, v15;
	v9 =	vld [tilespmem:s4+$0x15000];
	(xrf2) =	vadd.scan.msk.f32 $0xffff, v14  }
0xcb: {  	v10 =	vld [tilespmem:s30+$0x40]  }
0xcc: {  	v13 =	vadd.f32 v13, v16;
	[tilespmem:v3+s15+$0x0] =	vst.idx.add.f32.msk vm0, v12;
	v3 =	vmov v22  }
0xcd: {  	s0 =	sadd.s32 $0x100, s0;
	v12 =	vmul.f32 v17, v19;
	[tilespmem:v2+s15+$0x0] =	vst.idx.add.f32.msk vm0, v4;
	v2 =	vmov v21  }
0xce: {  	_ = 	snop  }
0xcf: {  	v4 =	vmul.f32 v11, v7  }
0xd0: {  	v6 =	vmul.f32 v9, v6;
	v7 =	vmul.f32 v10, v8;
	_ =	sdelay $0x1  }
0xd1: {  	v4 =	vadd.f32 v6, v4;
	v6 =	vadd.f32 v12, v7;
	_ =	sdelay $0x1  }
0xd2: {  	v4 =	vadd.f32 v4, v6  }
0xd3: {  	(xrf2) =	vadd.scan.msk.f32 $0xffff, v13  }
0xd4: {  	(xrf2) =	vadd.scan.msk.f32 $0xffff, v4;
	_ =	sdelay $0x7  }
0xd5: {  	[tilespmem:v0+s15+$0x0] =	vst.idx.add.f32.msk vm0, v1;
	p0 =	seq.s32 s28, $0x7;
	v4, _, _ =	vpop (xrf2)  }
0xd6: {  	s0 =	sshll.u32 @!p0 s28, $0xB;
	v6, _, _ =	vpop (xrf2);
	[tilespmem:v2+s15+$0x0] =	vst.idx.add.f32.msk vm0, v4  }
0xd7: {  	s0 =	sadd.s32 @!p0 s0, s12;
	[tilespmem:v5+s15+$0x0] =	vst.idx.add.f32.msk vm0, v6;
	v0, _, _ =	vpop (xrf2)  }
0xd8: {  	s4 =	simm.s32 @!p0 $0x0;
	s6 =	simm.s32 @!p0 $0x11000;
	s3 =	sadd.s32 @!p0 s1, s0;
	[tilespmem:v3+s15+$0x0] =	vst.idx.add.f32.msk vm0, v0  }
0xd9: {  	[tilespmem:s6], [sflag:$0x2] =	stream.linear.gather @!p0 [hbm4b:s3+s4], $0x2000, $0x38;
	[tilespmem:$0x19800] =	vst v63  }
0xda: {  	s0 =	sadd.s32 @!p0 s2, s0;
	s3 =	simm.s32 @!p0 $0x15000  }
0xdb: {  	[tilespmem:s3], [sflag:$0x2] =	stream.linear.gather @!p0 [hbm4b:s0+s4], $0x2000, $0x38;
	[tilespmem:$0x19800] =	vst v63  }
0xdc: {  	_ =	swait.ge [sflag:s24], $0x2000  }
0xdd: {  	[sflag:s24] =	ssyncset.done $0x0  }
0xde: {  	[sflag:s24] =	ssyncadd.s32 $0xFFFFE000  }
0xdf: {  	_ =	swait.ge [sflag:s24], $0x2000  }
0xe0: {  	[sflag:s24] =	ssyncset.done $0x0  }
0xe1: {  	s8 =	simm.s32 $0x170B0;
	[sflag:s24] =	ssyncadd.s32 $0xFFFFE000  }
0xe2: {  	v0 =	vld [tilespmem:s8+$0xFFFFFF50]  }
0xe3: {  	v1 =	vld [tilespmem:s8+$0xFFFFFF60]  }
0xe4: {  	v2 =	vld [tilespmem:s8+$0xFFFFFF70]  }
0xe5: {  	v3 =	vld [tilespmem:s8+$0xFFFFFF80]  }
0xe6: {  	v4 =	vld [tilespmem:s8+$0xFFFFFFD0]  }
0xe7: {  	v5 =	vld [tilespmem:s8+$0xFFFFFFE0]  }
0xe8: {  	v6 =	vld [tilespmem:s8+$0xFFFFFFF0]  }
0xe9: {  	s29 =	simm.s32 $0x130B0;
	v7 =	vld [tilespmem:s8+$0x0]  }
0xea: {  	v8 =	vld [tilespmem:s29+$0xFFFFFF50]  }
0xeb: {  	v54 =	vld [tilespmem:s29+$0xFFFFFF60]  }
0xec: {  	v55 =	vld [tilespmem:s29+$0xFFFFFF70]  }
0xed: {  	v56 =	vld [tilespmem:s29+$0xFFFFFF80]  }
0xee: {  	v57 =	vld [tilespmem:s29+$0xFFFFFFD0]  }
0xef: {  	v58 =	vld [tilespmem:s29+$0xFFFFFFE0]  }
0xf0: {  	s30 =	simm.s32 $0xC0;
	v14 =	vld [tilespmem:s29+$0xFFFFFFF0]  }
0xf1: {  	s9 =	simm.s32 $0x40;
	s3 =	sor.u32 $0x2040, s30;
	v15 =	vld [tilespmem:s29+$0x0]  }
0xf2: {  	s10 =	sor.u32 $0x2040, s9;
	v16 =	vld [tilespmem:s3+$0x11000]  }
0xf3: {  	s11 =	sor.u32 $0x2050, s9;
	v17 =	vld [tilespmem:s10+$0x11000]  }
0xf4: {  	s0 =	sor.u32 $0x2070, s9;
	v18 =	vld [tilespmem:s11+$0x11000]  }
0xf5: {  	v20 =	vld [tilespmem:s0+$0x11000]  }
0xf6: {  	v22 =	vld [tilespmem:s10+$0x15000]  }
0xf7: {  	s8 =	sor.u32 $0x2060, s9;
	v23 =	vld [tilespmem:s11+$0x15000]  }
0xf8: {  	s9 =	sor.u32 $0x2050, s30;
	v19 =	vld [tilespmem:s8+$0x11000]  }
0xf9: {  	v21 =	vld [tilespmem:s9+$0x11000]  }
0xfa: {  	v24 =	vld [tilespmem:s8+$0x15000]  }
0xfb: {  	v8 =	vld.idx.msk [tilespmem:v8+s20+$0x0], $0xffff  }
0xfc: {  	v9 =	vld.idx.msk [tilespmem:v54+s20+$0x0], $0xffff  }
0xfd: {  	v10 =	vld.idx.msk [tilespmem:v55+s20+$0x0], $0xffff  }
0xfe: {  	v11 =	vld.idx.msk [tilespmem:v56+s20+$0x0], $0xffff  }
0xff: {  	v12 =	vld.idx.msk [tilespmem:v57+s20+$0x0], $0xffff  }
0x100: {  	v13 =	vld.idx.msk [tilespmem:v58+s20+$0x0], $0xffff  }
0x101: {  	v14 =	vld.idx.msk [tilespmem:v14+s20+$0x0], $0xffff  }
0x102: {  	v15 =	vld.idx.msk [tilespmem:v15+s20+$0x0], $0xffff  }
0x103: {  	v17 =	vld.idx.msk [tilespmem:v17+s20+$0x0], $0xffff  }
0x104: {  	v18 =	vld.idx.msk [tilespmem:v18+s20+$0x0], $0xffff  }
0x105: {  	v20 =	vld.idx.msk [tilespmem:v20+s20+$0x0], $0xffff;
	v0 =	vmul.f32 v0, v8;
	v1 =	vmul.f32 v1, v9  }
0x106: {  	v19 =	vld.idx.msk [tilespmem:v19+s20+$0x0], $0xffff;
	v2 =	vmul.f32 v2, v10;
	v3 =	vmul.f32 v3, v11  }
0x107: {  	s18 =	sor.u32 $0x2060, s30;
	v8 =	vld [tilespmem:s0+$0x15000];
	v4 =	vmul.f32 v4, v12  }
0x108: {  	s19 =	sor.u32 $0x2070, s30;
	v59 =	vld [tilespmem:s18+$0x11000];
	v5 =	vmul.f32 v5, v13;
	v0 =	vadd.f32 v1, v0;
	v3 =	vadd.f32 v3, v2  }
0x109: {  	v60 =	vld [tilespmem:s19+$0x11000];
	v1 =	vmul.f32 v6, v14;
	v6 =	vmul.f32 v7, v15  }
0x10a: {  	v61 =	vld.idx.msk [tilespmem:v16+s20+$0x0], $0xffff;
	v62 =	vmul.f32 v23, v18;
	v3 =	vadd.f32 v3, v0  }
0x10b: {  	v63 =	vmul.f32 v24, v19;
	v4 =	vadd.f32 v5, v4;
	v2 =	vld.idx.msk [tilespmem:v21+s20+$0x0], $0xffff;
	v1 =	vadd.f32 v6, v1  }
0x10c: {  	v7 =	vmul.f32 v22, v17;
	v6 =	vld [tilespmem:s3+$0x15000];
	v8 =	vmul.f32 v8, v20;
	(xrf2) =	vadd.scan.msk.f32 $0xffff, v3  }
0x10d: {  	v5 =	vld [tilespmem:s9+$0x15000];
	v4 =	vadd.f32 v1, v4  }
0x10e: {  	v7 =	vadd.f32 v62, v7;
	v0 =	vld [tilespmem:s19+$0x15000];
	v8 =	vadd.f32 v8, v63  }
0x10f: {  	v1 =	vld [tilespmem:s18+$0x15000];
	(xrf2) =	vadd.scan.msk.f32 $0xffff, v4  }
0x110: {  	v3 =	vld.idx.msk [tilespmem:v59+s20+$0x0], $0xffff;
	v7 =	vadd.f32 v8, v7  }
0x111: {  	s31 =	simm.s32 $0xFFFFFFFC;
	s0 =	simm.s32 $0x0;
	s3 =	simm.s32 $0x171B0;
	v4 =	vld.idx.msk [tilespmem:v60+s20+$0x0], $0xffff;
	v6 =	vmul.f32 v6, v61  }
.LBB2_5:
0x112: {  	v8 =	vld [tilespmem:s3+$0xFFFFFF50];
	v2 =	vmul.f32 v5, v2;
	(xrf2) =	vadd.scan.msk.f32 $0xffff, v7  }
0x113: {  	s4 =	sadd.s32 s31, s26;
	s31 =	smov.u32 s0;
	v5 =	vld [tilespmem:s3+$0xFFFFFF60]  }
0x114: {  	s6 =	sadd.s32 $0x84, s4;
	s8 =	sadd.s32 $0x85, s4;
	s9 =	sadd.s32 $0x86, s4;
	v7 =	vld [tilespmem:s3+$0xFFFFFF70];
	v2 =	vadd.f32 v2, v6  }
0x115: {  	s4 =	sadd.s32 $0x87, s4;
	v9 =	vmov s6;
	v10 =	vmov s8;
	v11 =	vmov s9;
	v6 =	vld [tilespmem:s3+$0xFFFFFF80]  }
0x116: {  	v9 =	vand.u32 $0xFFFFFFFC, v9;
	v10 =	vand.u32 $0xFFFFFFFD, v10;
	v16 =	vmul.f32 v1, v3;
	v12 =	vld [tilespmem:s3+$0xFFFFFFD0];
	v3, _, _ =	vpop (xrf2)  }
0x117: {  	v11 =	vand.u32 $0xFFFFFFFE, v11;
	v10 =	vbroadcast v10, $0x0;
	v0 =	vmul.f32 v0, v4;
	v13 =	vld [tilespmem:s3+$0xFFFFFFE0]  }
0x118: {  	v14 =	vmov s4;
	v9 =	vbroadcast v9, $0x0;
	v11 =	vbroadcast v11, $0x0;
	v4 =	vld [tilespmem:s3+$0xFFFFFFF0]  }
0x119: {  	s29 =	sadd.s32 $0x100, s29;
	v0 =	vadd.f32 v0, v16;
	v15 =	vld [tilespmem:s3+$0x0];
	v1, _, _ =	vpop (xrf2)  }
0x11a: {  	v16 =	vld [tilespmem:s29+$0xFFFFFF50]  }
0x11b: {  	v0 =	vadd.f32 v0, v2;
	v17 =	vld [tilespmem:s29+$0xFFFFFF60]  }
0x11c: {  	v2 =	vld [tilespmem:s29+$0xFFFFFF70];
	v18, _, _ =	vpop (xrf2)  }
0x11d: {  	[tilespmem:v10+s15+$0x0] =	vst.idx.add.f32.msk vm0, v18;
	(xrf2) =	vadd.scan.msk.f32 $0xffff, v0  }
0x11e: {  	[tilespmem:v9+s15+$0x0] =	vst.idx.add.f32.msk vm0, v3  }
0x11f: {  	[tilespmem:v11+s15+$0x0] =	vst.idx.add.f32.msk vm0, v1  }
0x120: {  	v0 =	vld [tilespmem:s29+$0xFFFFFF80]  }
0x121: {  	v1 =	vld [tilespmem:s29+$0xFFFFFFD0]  }
0x122: {  	v3 =	vld [tilespmem:s29+$0xFFFFFFE0]  }
0x123: {  	v9 =	vld [tilespmem:s29+$0xFFFFFFF0]  }
0x124: {  	v10 =	vld [tilespmem:s29+$0x0]  }
0x125: {  	v11 =	vld.idx.msk [tilespmem:v16+s20+$0x0], $0xffff  }
0x126: {  	v16 =	vld.idx.msk [tilespmem:v17+s20+$0x0], $0xffff  }
0x127: {  	v2 =	vld.idx.msk [tilespmem:v2+s20+$0x0], $0xffff;
	v17, _, _ =	vpop (xrf2)  }
0x128: {  	[tilespmem:v14+s15+$0x0] =	vst.idx.add.f32.msk vm0, v17  }
0x129: {  	v0 =	vld.idx.msk [tilespmem:v0+s20+$0x0], $0xffff  }
0x12a: {  	v1 =	vld.idx.msk [tilespmem:v1+s20+$0x0], $0xffff  }
0x12b: {  	v3 =	vld.idx.msk [tilespmem:v3+s20+$0x0], $0xffff  }
0x12c: {  	s30 =	sadd.s32 $0x100, s30;
	v9 =	vld.idx.msk [tilespmem:v9+s20+$0x0], $0xffff  }
0x12d: {  	s18 =	sor.u32 $0x2050, s30;
	s8 =	sadd.s32 $0xFFFFFF80, s30;
	s6 =	sor.u32 $0x2040, s30;
	v10 =	vld.idx.msk [tilespmem:v10+s20+$0x0], $0xffff  }
0x12e: {  	s19 =	sor.u32 $0x2060, s30;
	s4 =	sor.u32 $0x2070, s30;
	s9 =	sor.u32 $0x2040, s8;
	v14 =	vld [tilespmem:s6+$0x11000]  }
0x12f: {  	s10 =	sor.u32 $0x2050, s8;
	v17 =	vld [tilespmem:s9+$0x11000]  }
0x130: {  	s0 =	sadd.s32 $0x4, s0;
	s11 =	sor.u32 $0x2060, s8;
	v18 =	vld [tilespmem:s10+$0x11000]  }
0x131: {  	p0 =	slt.u32 s0, $0x7C;
	s8 =	sor.u32 $0x2070, s8;
	v19 =	vld [tilespmem:s11+$0x11000]  }
0x132: {  	v20 =	vld [tilespmem:s8+$0x11000]  }
0x133: {  	v21 =	vld [tilespmem:s18+$0x11000]  }
0x134: {  	v22 =	vld [tilespmem:s9+$0x15000]  }
0x135: {  	v23 =	vld [tilespmem:s10+$0x15000]  }
0x136: {  	v24 =	vld [tilespmem:s11+$0x15000]  }
0x137: {  	v17 =	vld.idx.msk [tilespmem:v17+s20+$0x0], $0xffff  }
0x138: {  	v18 =	vld.idx.msk [tilespmem:v18+s20+$0x0], $0xffff  }
0x139: {  	v8 =	vmul.f32 v8, v11;
	v5 =	vmul.f32 v5, v16;
	v11 =	vld.idx.msk [tilespmem:v19+s20+$0x0], $0xffff  }
0x13a: {  	v2 =	vmul.f32 v7, v2;
	v0 =	vmul.f32 v6, v0;
	v6 =	vld.idx.msk [tilespmem:v20+s20+$0x0], $0xffff  }
0x13b: {  	v1 =	vmul.f32 v12, v1;
	v7 =	vld [tilespmem:s8+$0x15000]  }
0x13c: {  	v5 =	vadd.f32 v5, v8;
	v0 =	vadd.f32 v0, v2;
	v2 =	vmul.f32 v13, v3;
	v3 =	vld [tilespmem:s19+$0x11000]  }
0x13d: {  	v4 =	vmul.f32 v4, v9;
	v8 =	vmul.f32 v15, v10;
	v9 =	vld [tilespmem:s4+$0x11000]  }
0x13e: {  	v0 =	vadd.f32 v0, v5;
	v1 =	vadd.f32 v2, v1;
	v10 =	vld.idx.msk [tilespmem:v14+s20+$0x0], $0xffff  }
0x13f: {  	v4 =	vadd.f32 v8, v4;
	v12 =	vmul.f32 v22, v17;
	v13 =	vmul.f32 v23, v18;
	v2 =	vld.idx.msk [tilespmem:v21+s20+$0x0], $0xffff  }
0x140: {  	v8 =	vmul.f32 v24, v11;
	v6 =	vmul.f32 v7, v6;
	v11 =	vld [tilespmem:s6+$0x15000];
	(xrf2) =	vadd.scan.msk.f32 $0xffff, v0  }
.Ltmp1:
0x141: {  	v4 =	vadd.f32 v4, v1;
	v5 =	vld [tilespmem:s18+$0x15000];
	(pc) =	sbr.rel @p0 .LBB2_5-.Ltmp1, $4  }
0x142: {  	v7 =	vadd.f32 v13, v12;
	v6 =	vadd.f32 v6, v8;
	v1 =	vld [tilespmem:s19+$0x15000]  }
0x143: {  	v0 =	vld [tilespmem:s4+$0x15000];
	(xrf2) =	vadd.scan.msk.f32 $0xffff, v4  }
0x144: {  	v7 =	vadd.f32 v6, v7;
	v3 =	vld.idx.msk [tilespmem:v3+s20+$0x0], $0xffff  }
0x145: {  	s3 =	sadd.s32 $0x100, s3;
	v4 =	vld.idx.msk [tilespmem:v9+s20+$0x0], $0xffff;
	v6 =	vmul.f32 v11, v10  }
0x146: {  	_ =	sdelay $0x2  }
0x147: {  	v2 =	vmul.f32 v5, v2  }
0x148: {  	v1 =	vmul.f32 v1, v3;
	v0 =	vmul.f32 v0, v4;
	_ =	sdelay $0x1  }
0x149: {  	v2 =	vadd.f32 v2, v6;
	v0 =	vadd.f32 v0, v1  }
0x14a: {  	(xrf2) =	vadd.scan.msk.f32 $0xffff, v7  }
0x14b: {  	s0 =	sadd.s32 s31, s26;
	v0 =	vadd.f32 v0, v2  }
0x14c: {  	s3 =	sadd.s32 $0x85, s0  }
0x14d: {  	s31 =	sadd.s32 $0x86, s0;
	v56 =	vmov s3;
	(xrf2) =	vadd.scan.msk.f32 $0xffff, v0  }
0x14e: {  	s4 =	sadd.s32 $0x84, s0;
	v58 =	vmov s31;
	v1 =	vand.u32 $0xFFFFFFFD, v56  }
0x14f: {  	v57 =	vmov s4;
	v1 =	vbroadcast v1, $0x0;
	v2 =	vand.u32 $0xFFFFFFFE, v58  }
0x150: {  	v2 =	vbroadcast v2, $0x0;
	v0 =	vand.u32 $0xFFFFFFFC, v57  }
0x151: {  	v0 =	vbroadcast v0, $0x0  }
0x152: {  	s28 =	sadd.s32 $0x1, s28;
	s0 =	sadd.s32 $0x87, s0;
	v59, _, _ =	vpop (xrf2)  }
0x153: {  	p0 =	sne.s32 s28, $0x8;
	v60 =	vmov s0;
	v61, _, _ =	vpop (xrf2)  }
.Ltmp2:
0x154: {  	v62, _, _ =	vpop (xrf2);
	(pc) =	sbr.rel @p0 .LBB2_2-.Ltmp2, $4  }
0x155: {  	[tilespmem:v1+s15+$0x0] =	vst.idx.add.f32.msk vm0, v62  }
0x156: {  	[tilespmem:v2+s15+$0x0] =	vst.idx.add.f32.msk vm0, v61  }
0x157: {  	[tilespmem:v0+s15+$0x0] =	vst.idx.add.f32.msk vm0, v59;
	v63, _, _ =	vpop (xrf2)  }
0x158: {  	s26 =	sadd.s32 $0x100, s26;
	[tilespmem:v60+s15+$0x0] =	vst.idx.add.f32.msk vm0, v63  }
0x159: {  	s25 =	sadd.s32 $0x1, s25  }
0x15a: {  	p0 =	sne.s32 s25, s14  }
.Ltmp3:
0x15b: {  	_ = 	snop;
	(pc) =	sbr.rel @p0 .LBB2_1-.Ltmp3, $4  }
0x15c: {  	[hbm4b:s13+s5] =	stream.linear.scatter [tilespmem:s15], [sflag:$0x1], $0x800, $0x38;
	[tilespmem:$0x19800] =	vst v63  }
0x15d: {  	_ =	swait.ge [sflag:s17], $0x800  }
0x15e: {  	[sflag:s17] =	ssyncset.done $0x0  }
0x15f: {  	[sflag:s17] =	ssyncadd.s32 $0xFFFFF800  }
0x160: {  	_ =	sfence.sel $0x180000  }
0x161: {  	[bflag:$0x0] =	sbarrier.arrive $0xFFFF  }
0x162: {  	_ =	strace $0x90000047  }
0x163: {  	s0 =	stileid.u32;
	[bflag:$0x2] =	sbarrier.arrive $0xFFFF  }
0x164: {  	p0 =	sne.s32 s0, $0x0;
	s0 =	rddreg [dreg:$0x6]  }
0x165: {  	s0 =	sadd.s32 @!p0 $0x100000, s0  }
0x166: {  	[sflag:s0] =	ssyncadd.tile.s32 @!p0 $0x1;
	_ =	shalt  }
.Lfunc_end2:
_tile_overlayer_lowered:
.L_overlay_start_2:
0x167: {  	(tag) =	ssettag $0x2  }
0x168: {  	s0 =	rddreg [dreg:$0x0];
	s2 =	stileid.u32  }
0x169: {  	s1 =	rddreg [dreg:$0x1];
	p0 =	sne.s32 s2, $0x0  }
0x16a: {  	s3 =	rddreg [dreg:$0x2];
	[bflag:$0x3] =	sbarrier.arrive $0xFFFF;
	s2 =	simm.s32 @!p0 $0x1C04  }
0x16b: {  	[timem:s3], [sflag:s2] =	dma.local @!p0 [hbm:s0], s1  }
0x16c: {  	s0 =	simm.s32 @!p0 $0x4  }
0x16d: {  	_ =	swait.ge @!p0 [sflag:s0], s1  }
0x16e: {  	s1 =	ssub.s32 @!p0 $0x0, s1;
	[sflag:s0] =	ssyncset.done @!p0 $0x0  }
0x16f: {  	[sflag:s0] =	ssyncadd.s32 @!p0 s1  }
0x170: {  	[bflag:$0x3] =	sbarrier.arrive $0xFFFF  }
0x171: {  	_ =	shalt  }

</sc_bundles>
